<compile_context>
chip_gen: v7x
topology: tpu7x:2x2x1
jax: 0.10.2.dev20260603
libtpu: 0.0.44.dev20260713+nightly
codegen_flags: <defaults>
</compile_context>

<pallas_src>
import functools

import jax
import jax.numpy as jnp
from jax import lax
from jax.experimental import pallas as pl
from jax.experimental.pallas import tpu as pltpu
from jax.experimental.pallas import tpu_sc as plsc

_B = 16384
_M = 6
_F = 16
_V = 1000
_D = 128
_L = 16
_NMOVE = 4 * _M


@functools.lru_cache(maxsize=None)
def _build_sc_call():
    info = plsc.get_sparse_core_info()
    nc, ns = info.num_cores, info.num_subcores
    nw = nc * ns
    assert _B % (nw * _L) == 0
    bpw = _B // nw
    ngroups = bpw // _L
    rows_per_sub = 64
    vpad = ns * rows_per_sub

    mesh = plsc.VectorSubcoreMesh(core_axis_name="c", subcore_axis_name="s")

    @functools.partial(
        pl.kernel,
        mesh=mesh,
        compiler_params=pltpu.CompilerParams(
            needs_layout_passes=False, disable_bounds_checks=True),
        out_type=(
            jax.ShapeDtypeStruct((_M, 4, _B), jnp.float32),
            jax.ShapeDtypeStruct((_B,), jnp.int32),
        ),
        scratch_types=dict(
            t3_shared=pltpu.VMEM_SHARED((vpad,), jnp.float32),
            row_buf=pltpu.VMEM((rows_per_sub * _D,), jnp.float32),
            t3_part=pltpu.VMEM((rows_per_sub,), jnp.float32),
            t3=pltpu.VMEM((vpad,), jnp.float32),
            tok_v=pltpu.VMEM((_M, 8, bpw), jnp.int32),
            act_v=pltpu.VMEM((_M, bpw), jnp.int32),
            mask_v=pltpu.VMEM((_M, bpw), jnp.int32),
            out_v=pltpu.VMEM((_M, 4, bpw), jnp.float32),
            idx_v=pltpu.VMEM((bpw,), jnp.int32),
            sem=pltpu.SemaphoreType.DMA,
        ),
    )
    def sc_call(pr_hbm, mask_hbm, emb_hbm, bp_hbm, idx_hbm, *, t3_shared,
                row_buf, t3_part, t3, tok_v, act_v, mask_v, out_v, idx_v,
                sem):
        c = lax.axis_index("c")
        s = lax.axis_index("s")
        wid = s * nc + c
        bsl = pl.ds(wid * bpw, bpw)

        cp_tok = pltpu.async_copy(pr_hbm.at[:, pl.ds(8, 8), bsl], tok_v, sem)
        cp_act = pltpu.async_copy(pr_hbm.at[:, 1, bsl], act_v, sem)
        cp_mk = pltpu.async_copy(mask_hbm.at[:, bsl], mask_v, sem)

        iota = lax.iota(jnp.int32, _L)
        slot_base = s * rows_per_sub
        fetch_base = jnp.minimum(slot_base + 1, _V - rows_per_sub)
        delta = slot_base + 1 - fetch_base
        pltpu.sync_copy(emb_hbm.at[pl.ds(fetch_base * _D, rows_per_sub * _D)],
                        row_buf)
        for gg in range(rows_per_sub // _L):
            col3_idx = jnp.minimum((iota + (gg * _L) + delta) * _D + 3,
                                   rows_per_sub * _D - 1)
            t3_part[pl.ds(gg * _L, _L)] = plsc.load_gather(row_buf,
                                                           [col3_idx])
        pltpu.sync_copy(t3_part, t3_shared.at[pl.ds(slot_base, rows_per_sub)])
        plsc.subcore_barrier()
        pltpu.sync_copy(t3_shared, t3)

        cp_tok.wait()
        cp_act.wait()
        cp_mk.wait()

        neg1 = jnp.full((_L,), -1.0, jnp.float32)
        neginf = jnp.full((_L,), -jnp.inf, jnp.float32)

        def group(g, carry):
            gsl = pl.ds(g * _L, _L)
            runmax = neginf
            runidx = jnp.zeros((_L,), jnp.int32)
            for j in range(_NMOVE):
                m, k = divmod(j, 4)
                if k == 0:
                    act = act_v[m, gsl] == 1
                    mword = mask_v[m, gsl]
                tok = tok_v[m, 2 * k, gsl]
                bp = plsc.load_gather(t3, [tok])
                mv = (mword & (1 << (8 * k))) != 0
                bpm = jnp.where(mv, bp, neg1)
                sc = jnp.where(act, bpm, neginf)
                upd = sc > runmax
                runmax = jnp.where(upd, sc, runmax)
                runidx = jnp.where(upd, jnp.full((_L,), j, jnp.int32), runidx)
                out_v[m, k, gsl] = bpm
            idx_v[gsl] = runidx
            return carry

        lax.fori_loop(0, ngroups, group, 0)

        pltpu.sync_copy(out_v, bp_hbm.at[:, :, bsl])
        pltpu.sync_copy(idx_v, idx_hbm.at[bsl])

    return sc_call


def kernel(private_reserve, move_mask, emb_table):
    sc_call = _build_sc_call()
    pr_t = private_reserve.transpose(1, 2, 0)
    mask_words = lax.bitcast_convert_type(
        move_mask.astype(jnp.uint8).transpose(1, 0, 2), jnp.int32)
    emb_flat = emb_table.reshape(-1)
    bp_t, index = sc_call(pr_t, mask_words, emb_flat)
    return bp_t.transpose(2, 0, 1), index

# --- scband reference (transcript-rebuilt; emitter-appended) ---
"""Pipeline reference for scband-max-damage-model-11012296147582 (READ-ONLY COPY).

The authoritative reference and input builder live on the scoring server;
editing this copy changes nothing except your own understanding.
"""

import jax, jax.numpy as jnp
import numpy as np

B = 16384
M = 6
F = 16
V = 1000
D = 128


def setup_inputs(seed: int = 0) -> dict:
    key = jax.random.key(seed)
    k1, k2, k3 = jax.random.split(key, 3)
    # private_reserve: int tokens; feature 1 == 1 marks the active mon (since +1 == 2)
    private_reserve = jax.random.randint(k1, (B, M, F), 0, 998, dtype=jnp.int32)
    move_mask = jax.random.randint(k2, (B, M, 4), 0, 2, dtype=jnp.int32) > 0
    # learned move embedding table (MoveEmbedding): column 3 is base power
    emb_table = jax.random.normal(k3, (V, D), dtype=jnp.float32)
    return {"private_reserve": private_reserve, "move_mask": move_mask, "emb_table": emb_table}


def reference(private_reserve, move_mask, emb_table):
    # faithful batched translation of MaxDamageModel.forward tensor path
    pr_x = private_reserve + 1
    active = pr_x[..., 1] == 2                      # [B, M] which mons are active
    moves = pr_x[..., -8:]
    moves = moves.reshape(moves.shape[0], moves.shape[1], 4, 2)
    move_tokens = moves[..., 0]                     # [B, M, 4]
    move_tokens = jnp.clip(move_tokens, 0, emb_table.shape[0] - 1)
    moves_emb = jnp.take(emb_table, move_tokens, axis=0)   # embedding gather [B, M, 4, D]
    moves_basepower = moves_emb[..., 3]             # [B, M, 4]
    moves_basepower = jnp.where(move_mask, moves_basepower, -1.0)
    # restrict argmax to active mons (batched analogue of private_reserve_x[active])
    scored = jnp.where(active[..., None], moves_basepower, -jnp.inf)
    index = jnp.argmax(scored.reshape(scored.shape[0], -1), axis=-1)  # [B]
    return moves_basepower, index

if __name__ == "__main__":
    import jax
    _d = setup_inputs()
    print(jax.jit(kernel)(*tuple(_d.values())))

</pallas_src>

<mosaic_0001>
#map = affine_map<(d0, d1) -> (0, 0, 0)>
#map1 = affine_map<(d0, d1) -> (0, 0)>
#map2 = affine_map<(d0, d1) -> (0)>
module attributes {stable_mosaic.version = 14 : i64} {
  func.func @sc_call(%arg0: i32, %arg1: i32, %arg2: memref<6x16x16384xi32, #tpu.memory_space<hbm>>, %arg3: memref<6x16384xi32, #tpu.memory_space<hbm>>, %arg4: memref<128000xf32, #tpu.memory_space<hbm>>, %arg5: memref<6x4x16384xf32, #tpu.memory_space<hbm>>, %arg6: memref<16384xi32, #tpu.memory_space<hbm>>, %arg7: memref<6x512xi32, #tpu.memory_space<vmem>>, %arg8: memref<512xi32, #tpu.memory_space<vmem>>, %arg9: memref<6x512xi32, #tpu.memory_space<vmem>>, %arg10: memref<6x4x512xf32, #tpu.memory_space<vmem>>, %arg11: memref<8192xf32, #tpu.memory_space<vmem>>, %arg12: memref<!tpu.dma_semaphore, #tpu.memory_space<semaphore_mem>>, %arg13: memref<1024xf32, #tpu.memory_space<vmem>>, %arg14: memref<64xf32, #tpu.memory_space<vmem>>, %arg15: memref<1024xf32, #tpu.memory_space<vmem_shared>>, %arg16: memref<6x8x512xi32, #tpu.memory_space<vmem>>) attributes {dimension_semantics = [#tpu.dimension_semantics<core_parallel>, #tpu.dimension_semantics<subcore_parallel>], iteration_bounds = array<i64: 2, 16>, scalar_prefetch = 0 : i64, scratch_operands = 10 : i64, tpu.core_type = #tpu.core_type<sc_vector_subcore>, window_params = [{transform_indices = #map}, {transform_indices = #map1}, {transform_indices = #map2}, {transform_indices = #map}, {transform_indices = #map2}]} {
    %mul3A = arith.constant 2 : i32
    %mul3A_0 = arith.muli %arg1, %mul3A : i32
    %add3A = arith.addi %mul3A_0, %arg0 : i32
    %mul3A_1 = arith.constant 512 : i32
    %mul3A_2 = arith.muli %add3A, %mul3A_1 : i32
    %dma_start3A = arith.constant 0 : i32
    %dma_start3A_3 = arith.constant 8 : i32
    %dma_start3A_4 = tpu.memref_slice %arg2[%dma_start3A, %dma_start3A_3, %mul3A_2] : memref<6x16x16384xi32, #tpu.memory_space<hbm>> -> memref<6x8x512xi32, #tpu.memory_space<hbm>>
    %dma_start3A_5 = arith.constant 0 : i32
    %dma_start3A_6 = arith.constant 8 : i32
    %dma_start3A_7 = tpu.memref_slice %arg2[%dma_start3A_5, %dma_start3A_6, %mul3A_2] : memref<6x16x16384xi32, #tpu.memory_space<hbm>> -> memref<6x8x512xi32, #tpu.memory_space<hbm>>
    tpu.enqueue_dma source(%dma_start3A_7 : memref<6x8x512xi32, #tpu.memory_space<hbm>>) target(%arg16 : memref<6x8x512xi32, #tpu.memory_space<vmem>>) target_semaphore(%arg12 : memref<!tpu.dma_semaphore, #tpu.memory_space<semaphore_mem>>)
    %dma_start3A_8 = arith.constant 1 : i32
    %dma_start3A_9 = arith.constant 0 : i32
    %dma_start3A_10 = tpu.memref_slice %arg2[%dma_start3A_9, %dma_start3A_8, %mul3A_2] : memref<6x16x16384xi32, #tpu.memory_space<hbm>> -> memref<6x1x512xi32, #tpu.memory_space<hbm>>
    %dma_start3A_11 = tpu.memref_squeeze %dma_start3A_10 : memref<6x1x512xi32, #tpu.memory_space<hbm>> -> memref<6x512xi32, #tpu.memory_space<hbm>>
    %dma_start3A_12 = arith.constant 0 : i32
    %dma_start3A_13 = tpu.memref_slice %arg2[%dma_start3A_12, %dma_start3A_8, %mul3A_2] : memref<6x16x16384xi32, #tpu.memory_space<hbm>> -> memref<6x1x512xi32, #tpu.memory_space<hbm>>
    %dma_start3A_14 = tpu.memref_squeeze %dma_start3A_13 : memref<6x1x512xi32, #tpu.memory_space<hbm>> -> memref<6x512xi32, #tpu.memory_space<hbm>>
    tpu.enqueue_dma source(%dma_start3A_14 : memref<6x512xi32, #tpu.memory_space<hbm>>) target(%arg7 : memref<6x512xi32, #tpu.memory_space<vmem>>) target_semaphore(%arg12 : memref<!tpu.dma_semaphore, #tpu.memory_space<semaphore_mem>>)
    %dma_start3A_15 = arith.constant 0 : i32
    %dma_start3A_16 = tpu.memref_slice %arg3[%dma_start3A_15, %mul3A_2] : memref<6x16384xi32, #tpu.memory_space<hbm>> -> memref<6x512xi32, #tpu.memory_space<hbm>>
    %dma_start3A_17 = arith.constant 0 : i32
    %dma_start3A_18 = tpu.memref_slice %arg3[%dma_start3A_17, %mul3A_2] : memref<6x16384xi32, #tpu.memory_space<hbm>> -> memref<6x512xi32, #tpu.memory_space<hbm>>
    tpu.enqueue_dma source(%dma_start3A_18 : memref<6x512xi32, #tpu.memory_space<hbm>>) target(%arg9 : memref<6x512xi32, #tpu.memory_space<vmem>>) target_semaphore(%arg12 : memref<!tpu.dma_semaphore, #tpu.memory_space<semaphore_mem>>)
    %iota3A = tpu.iota {dimensions = array<i32: 0>} : vector<16xi32>
    %mul3A_19 = arith.constant 64 : i32
    %mul3A_20 = arith.muli %arg1, %mul3A_19 : i32
    %add3A_21 = arith.constant 1 : i32
    %add3A_22 = arith.addi %mul3A_20, %add3A_21 : i32
    %min3A = arith.constant 936 : i32
    %min3A_23 = arith.minsi %add3A_22, %min3A : i32
    %add3A_24 = arith.constant 1 : i32
    %add3A_25 = arith.addi %mul3A_20, %add3A_24 : i32
    %sub3A = arith.subi %add3A_25, %min3A_23 : i32
    %mul3A_26 = arith.constant 128 : i32
    %mul3A_27 = arith.muli %min3A_23, %mul3A_26 : i32
    "tpu.region"() ({
      %run_scoped3A = tpu.sem_alloc : memref<!tpu.dma_semaphore, #tpu.memory_space<semaphore_mem>>
      %dma_start3A_118 = tpu.memref_slice %arg4[%mul3A_27] : memref<128000xf32, #tpu.memory_space<hbm>> -> memref<8192xf32, #tpu.memory_space<hbm>>
      %dma_start3A_119 = tpu.memref_slice %arg4[%mul3A_27] : memref<128000xf32, #tpu.memory_space<hbm>> -> memref<8192xf32, #tpu.memory_space<hbm>>
      tpu.enqueue_dma source(%dma_start3A_119 : memref<8192xf32, #tpu.memory_space<hbm>>) target(%arg11 : memref<8192xf32, #tpu.memory_space<vmem>>) target_semaphore(%run_scoped3A : memref<!tpu.dma_semaphore, #tpu.memory_space<semaphore_mem>>)
      %dma_wait3A_120 = tpu.memref_slice %arg4[%mul3A_27] : memref<128000xf32, #tpu.memory_space<hbm>> -> memref<8192xf32, #tpu.memory_space<hbm>>
      %dma_wait3A_121 = tpu.memref_slice %arg4[%mul3A_27] : memref<128000xf32, #tpu.memory_space<hbm>> -> memref<8192xf32, #tpu.memory_space<hbm>>
      tpu.wait_dma2 semaphore(%run_scoped3A : memref<!tpu.dma_semaphore, #tpu.memory_space<semaphore_mem>>) src(%dma_wait3A_121 : memref<8192xf32, #tpu.memory_space<hbm>>) dst(%arg11 : memref<8192xf32, #tpu.memory_space<vmem>>)
      tpu.yield
    }) : () -> ()
    %add3A_28 = arith.constant 0 : i32
    %add3A_29 = vector.broadcast %add3A_28 : i32 to vector<16xi32>
    %add3A_30 = arith.addi %iota3A, %add3A_29 : vector<16xi32>
    %add3A_31 = vector.broadcast %sub3A : i32 to vector<16xi32>
    %add3A_32 = arith.addi %add3A_30, %add3A_31 : vector<16xi32>
    %mul3A_33 = arith.constant 128 : i32
    %mul3A_34 = vector.broadcast %mul3A_33 : i32 to vector<16xi32>
    %mul3A_35 = arith.muli %add3A_32, %mul3A_34 : vector<16xi32>
    %add3A_36 = arith.constant 3 : i32
    %add3A_37 = vector.broadcast %add3A_36 : i32 to vector<16xi32>
    %add3A_38 = arith.addi %mul3A_35, %add3A_37 : vector<16xi32>
    %min3A_39 = arith.constant 8191 : i32
    %min3A_40 = vector.broadcast %min3A_39 : i32 to vector<16xi32>
    %min3A_41 = arith.minsi %add3A_38, %min3A_40 : vector<16xi32>
    %gather3A = tpu.vector_load_idx %arg11[%min3A_41] : memref<8192xf32, #tpu.memory_space<vmem>>[vector<16xi32>], vector<16xf32>,
    %swap3A = arith.constant 0 : index
    %swap3A_42 = tpu.vector_load %arg14[%swap3A] {strides = array<i32>} : memref<64xf32, #tpu.memory_space<vmem>>, vector<16xf32>,
    tpu.vector_store %arg14[%swap3A], %gather3A {strides = array<i32>} : memref<64xf32, #tpu.memory_space<vmem>>, vector<16xf32>,
    %add3A_43 = arith.constant 16 : i32
    %add3A_44 = vector.broadcast %add3A_43 : i32 to vector<16xi32>
    %add3A_45 = arith.addi %iota3A, %add3A_44 : vector<16xi32>
    %add3A_46 = vector.broadcast %sub3A : i32 to vector<16xi32>
    %add3A_47 = arith.addi %add3A_45, %add3A_46 : vector<16xi32>
    %mul3A_48 = arith.constant 128 : i32
    %mul3A_49 = vector.broadcast %mul3A_48 : i32 to vector<16xi32>
    %mul3A_50 = arith.muli %add3A_47, %mul3A_49 : vector<16xi32>
    %add3A_51 = arith.constant 3 : i32
    %add3A_52 = vector.broadcast %add3A_51 : i32 to vector<16xi32>
    %add3A_53 = arith.addi %mul3A_50, %add3A_52 : vector<16xi32>
    %min3A_54 = arith.constant 8191 : i32
    %min3A_55 = vector.broadcast %min3A_54 : i32 to vector<16xi32>
    %min3A_56 = arith.minsi %add3A_53, %min3A_55 : vector<16xi32>
    %gather3A_57 = tpu.vector_load_idx %arg11[%min3A_56] : memref<8192xf32, #tpu.memory_space<vmem>>[vector<16xi32>], vector<16xf32>,
    %swap3A_58 = arith.constant 16 : index
    %swap3A_59 = tpu.vector_load %arg14[%swap3A_58] {strides = array<i32>} : memref<64xf32, #tpu.memory_space<vmem>>, vector<16xf32>,
    tpu.vector_store %arg14[%swap3A_58], %gather3A_57 {strides = array<i32>} : memref<64xf32, #tpu.memory_space<vmem>>, vector<16xf32>,
    %add3A_60 = arith.constant 32 : i32
    %add3A_61 = vector.broadcast %add3A_60 : i32 to vector<16xi32>
    %add3A_62 = arith.addi %iota3A, %add3A_61 : vector<16xi32>
    %add3A_63 = vector.broadcast %sub3A : i32 to vector<16xi32>
    %add3A_64 = arith.addi %add3A_62, %add3A_63 : vector<16xi32>
    %mul3A_65 = arith.constant 128 : i32
    %mul3A_66 = vector.broadcast %mul3A_65 : i32 to vector<16xi32>
    %mul3A_67 = arith.muli %add3A_64, %mul3A_66 : vector<16xi32>
    %add3A_68 = arith.constant 3 : i32
    %add3A_69 = vector.broadcast %add3A_68 : i32 to vector<16xi32>
    %add3A_70 = arith.addi %mul3A_67, %add3A_69 : vector<16xi32>
    %min3A_71 = arith.constant 8191 : i32
    %min3A_72 = vector.broadcast %min3A_71 : i32 to vector<16xi32>
    %min3A_73 = arith.minsi %add3A_70, %min3A_72 : vector<16xi32>
    %gather3A_74 = tpu.vector_load_idx %arg11[%min3A_73] : memref<8192xf32, #tpu.memory_space<vmem>>[vector<16xi32>], vector<16xf32>,
    %swap3A_75 = arith.constant 32 : index
    %swap3A_76 = tpu.vector_load %arg14[%swap3A_75] {strides = array<i32>} : memref<64xf32, #tpu.memory_space<vmem>>, vector<16xf32>,
    tpu.vector_store %arg14[%swap3A_75], %gather3A_74 {strides = array<i32>} : memref<64xf32, #tpu.memory_space<vmem>>, vector<16xf32>,
    %add3A_77 = arith.constant 48 : i32
    %add3A_78 = vector.broadcast %add3A_77 : i32 to vector<16xi32>
    %add3A_79 = arith.addi %iota3A, %add3A_78 : vector<16xi32>
    %add3A_80 = vector.broadcast %sub3A : i32 to vector<16xi32>
    %add3A_81 = arith.addi %add3A_79, %add3A_80 : vector<16xi32>
    %mul3A_82 = arith.constant 128 : i32
    %mul3A_83 = vector.broadcast %mul3A_82 : i32 to vector<16xi32>
    %mul3A_84 = arith.muli %add3A_81, %mul3A_83 : vector<16xi32>
    %add3A_85 = arith.constant 3 : i32
    %add3A_86 = vector.broadcast %add3A_85 : i32 to vector<16xi32>
    %add3A_87 = arith.addi %mul3A_84, %add3A_86 : vector<16xi32>
    %min3A_88 = arith.constant 8191 : i32
    %min3A_89 = vector.broadcast %min3A_88 : i32 to vector<16xi32>
    %min3A_90 = arith.minsi %add3A_87, %min3A_89 : vector<16xi32>
    %gather3A_91 = tpu.vector_load_idx %arg11[%min3A_90] : memref<8192xf32, #tpu.memory_space<vmem>>[vector<16xi32>], vector<16xf32>,
    %swap3A_92 = arith.constant 48 : index
    %swap3A_93 = tpu.vector_load %arg14[%swap3A_92] {strides = array<i32>} : memref<64xf32, #tpu.memory_space<vmem>>, vector<16xf32>,
    tpu.vector_store %arg14[%swap3A_92], %gather3A_91 {strides = array<i32>} : memref<64xf32, #tpu.memory_space<vmem>>, vector<16xf32>,
    "tpu.region"() ({
      %run_scoped3A = tpu.sem_alloc : memref<!tpu.dma_semaphore, #tpu.memory_space<semaphore_mem>>
      %dma_start3A_118 = tpu.memref_slice %arg15[%mul3A_20] : memref<1024xf32, #tpu.memory_space<vmem_shared>> -> memref<64xf32, #tpu.memory_space<vmem_shared>>
      %dma_start3A_119 = tpu.memref_slice %arg15[%mul3A_20] : memref<1024xf32, #tpu.memory_space<vmem_shared>> -> memref<64xf32, #tpu.memory_space<vmem_shared>>
      tpu.enqueue_dma source(%arg14 : memref<64xf32, #tpu.memory_space<vmem>>) target(%dma_start3A_119 : memref<64xf32, #tpu.memory_space<vmem_shared>>) target_semaphore(%run_scoped3A : memref<!tpu.dma_semaphore, #tpu.memory_space<semaphore_mem>>)
      %dma_wait3A_120 = tpu.memref_slice %arg15[%mul3A_20] : memref<1024xf32, #tpu.memory_space<vmem_shared>> -> memref<64xf32, #tpu.memory_space<vmem_shared>>
      %dma_wait3A_121 = tpu.memref_slice %arg15[%mul3A_20] : memref<1024xf32, #tpu.memory_space<vmem_shared>> -> memref<64xf32, #tpu.memory_space<vmem_shared>>
      tpu.wait_dma2 semaphore(%run_scoped3A : memref<!tpu.dma_semaphore, #tpu.memory_space<semaphore_mem>>) src(%arg14 : memref<64xf32, #tpu.memory_space<vmem>>) dst(%dma_wait3A_121 : memref<64xf32, #tpu.memory_space<vmem_shared>>)
      tpu.yield
    }) : () -> ()
    %barrier3A = arith.constant 0 : index
    tpu.barrier barrier_id(%barrier3A)
    "tpu.region"() ({
      %run_scoped3A = tpu.sem_alloc : memref<!tpu.dma_semaphore, #tpu.memory_space<semaphore_mem>>
      tpu.enqueue_dma source(%arg15 : memref<1024xf32, #tpu.memory_space<vmem_shared>>) target(%arg13 : memref<1024xf32, #tpu.memory_space<vmem>>) target_semaphore(%run_scoped3A : memref<!tpu.dma_semaphore, #tpu.memory_space<semaphore_mem>>)
      tpu.wait_dma2 semaphore(%run_scoped3A : memref<!tpu.dma_semaphore, #tpu.memory_space<semaphore_mem>>) src(%arg15 : memref<1024xf32, #tpu.memory_space<vmem_shared>>) dst(%arg13 : memref<1024xf32, #tpu.memory_space<vmem>>)
      tpu.yield
    }) : () -> ()
    %dma_wait3A = arith.constant 0 : i32
    %dma_wait3A_94 = arith.constant 8 : i32
    %dma_wait3A_95 = tpu.memref_slice %arg2[%dma_wait3A, %dma_wait3A_94, %mul3A_2] : memref<6x16x16384xi32, #tpu.memory_space<hbm>> -> memref<6x8x512xi32, #tpu.memory_space<hbm>>
    %dma_wait3A_96 = arith.constant 0 : i32
    %dma_wait3A_97 = arith.constant 8 : i32
    %dma_wait3A_98 = tpu.memref_slice %arg2[%dma_wait3A_96, %dma_wait3A_97, %mul3A_2] : memref<6x16x16384xi32, #tpu.memory_space<hbm>> -> memref<6x8x512xi32, #tpu.memory_space<hbm>>
    tpu.wait_dma2 semaphore(%arg12 : memref<!tpu.dma_semaphore, #tpu.memory_space<semaphore_mem>>) src(%dma_wait3A_98 : memref<6x8x512xi32, #tpu.memory_space<hbm>>) dst(%arg16 : memref<6x8x512xi32, #tpu.memory_space<vmem>>)
    %dma_wait3A_99 = arith.constant 1 : i32
    %dma_wait3A_100 = arith.constant 0 : i32
    %dma_wait3A_101 = tpu.memref_slice %arg2[%dma_wait3A_100, %dma_wait3A_99, %mul3A_2] : memref<6x16x16384xi32, #tpu.memory_space<hbm>> -> memref<6x1x512xi32, #tpu.memory_space<hbm>>
    %dma_wait3A_102 = tpu.memref_squeeze %dma_wait3A_101 : memref<6x1x512xi32, #tpu.memory_space<hbm>> -> memref<6x512xi32, #tpu.memory_space<hbm>>
    %dma_wait3A_103 = arith.constant 0 : i32
    %dma_wait3A_104 = tpu.memref_slice %arg2[%dma_wait3A_103, %dma_wait3A_99, %mul3A_2] : memref<6x16x16384xi32, #tpu.memory_space<hbm>> -> memref<6x1x512xi32, #tpu.memory_space<hbm>>
    %dma_wait3A_105 = tpu.memref_squeeze %dma_wait3A_104 : memref<6x1x512xi32, #tpu.memory_space<hbm>> -> memref<6x512xi32, #tpu.memory_space<hbm>>
    tpu.wait_dma2 semaphore(%arg12 : memref<!tpu.dma_semaphore, #tpu.memory_space<semaphore_mem>>) src(%dma_wait3A_105 : memref<6x512xi32, #tpu.memory_space<hbm>>) dst(%arg7 : memref<6x512xi32, #tpu.memory_space<vmem>>)
    %dma_wait3A_106 = arith.constant 0 : i32
    %dma_wait3A_107 = tpu.memref_slice %arg3[%dma_wait3A_106, %mul3A_2] : memref<6x16384xi32, #tpu.memory_space<hbm>> -> memref<6x512xi32, #tpu.memory_space<hbm>>
    %dma_wait3A_108 = arith.constant 0 : i32
    %dma_wait3A_109 = tpu.memref_slice %arg3[%dma_wait3A_108, %mul3A_2] : memref<6x16384xi32, #tpu.memory_space<hbm>> -> memref<6x512xi32, #tpu.memory_space<hbm>>
    tpu.wait_dma2 semaphore(%arg12 : memref<!tpu.dma_semaphore, #tpu.memory_space<semaphore_mem>>) src(%dma_wait3A_109 : memref<6x512xi32, #tpu.memory_space<hbm>>) dst(%arg9 : memref<6x512xi32, #tpu.memory_space<vmem>>)
    %broadcast_in_dim3A = arith.constant -1.000000e+00 : f32
    %broadcast_in_dim3A_110 = vector.broadcast %broadcast_in_dim3A : f32 to vector<16xf32>
    %broadcast_in_dim3A_111 = arith.constant 0xFF800000 : f32
    %broadcast_in_dim3A_112 = vector.broadcast %broadcast_in_dim3A_111 : f32 to vector<16xf32>
    %scan3A = arith.constant 0 : i32
    %scan3A_113 = arith.constant 0 : i32
    %scan3A_114 = arith.constant 32 : i32
    %scan3A_115 = arith.addi %scan3A_113, %scan3A_114 : i32
    %scan3A_116 = arith.constant 1 : i32
    scf.for %scan3A_118 = %scan3A_113 to %scan3A_115 step %scan3A_116  : i32 {
      %mul3A_119 = arith.constant 16 : i32
      %mul3A_120 = arith.muli %scan3A_118, %mul3A_119 : i32
      %broadcast_in_dim3A_121 = arith.constant 0 : i32
      %broadcast_in_dim3A_122 = vector.broadcast %broadcast_in_dim3A_121 : i32 to vector<16xi32>
      %get3A = arith.constant 0 : i32
      %get3A_123 = arith.index_cast %get3A : i32 to index
      %get3A_124 = arith.index_cast %mul3A_120 : i32 to index
      %get3A_125 = tpu.vector_load %arg7[%get3A_123, %get3A_124] {strides = array<i32>} : memref<6x512xi32, #tpu.memory_space<vmem>>, vector<16xi32>,
      %eq3A = arith.constant 1 : i32
      %eq3A_126 = vector.broadcast %eq3A : i32 to vector<16xi32>
      %eq3A_127 = arith.cmpi eq, %get3A_125, %eq3A_126 : vector<16xi32>
      %get3A_128 = arith.constant 0 : i32
      %get3A_129 = arith.index_cast %get3A_128 : i32 to index
      %get3A_130 = arith.index_cast %mul3A_120 : i32 to index
      %get3A_131 = tpu.vector_load %arg9[%get3A_129, %get3A_130] {strides = array<i32>} : memref<6x512xi32, #tpu.memory_space<vmem>>, vector<16xi32>,
      %get3A_132 = arith.constant 0 : i32
      %get3A_133 = arith.constant 0 : i32
      %get3A_134 = arith.index_cast %get3A_132 : i32 to index
      %get3A_135 = arith.index_cast %get3A_133 : i32 to index
      %get3A_136 = arith.index_cast %mul3A_120 : i32 to index
      %get3A_137 = tpu.vector_load %arg16[%get3A_134, %get3A_135, %get3A_136] {strides = array<i32>} : memref<6x8x512xi32, #tpu.memory_space<vmem>>, vector<16xi32>,
      %gather3A_138 = tpu.vector_load_idx %arg13[%get3A_137] : memref<1024xf32, #tpu.memory_space<vmem>>[vector<16xi32>], vector<16xf32>,
      %and3A = arith.constant 1 : i32
      %and3A_139 = vector.broadcast %and3A : i32 to vector<16xi32>
      %and3A_140 = arith.andi %get3A_131, %and3A_139 : vector<16xi32>
      %ne3A = arith.constant 0 : i32
      %ne3A_141 = vector.broadcast %ne3A : i32 to vector<16xi32>
      %ne3A_142 = arith.cmpi ne, %and3A_140, %ne3A_141 : vector<16xi32>
      %select_n3A = arith.select %ne3A_142, %gather3A_138, %broadcast_in_dim3A_110 : vector<16xi1>, vector<16xf32>
      %select_n3A_143 = arith.select %eq3A_127, %select_n3A, %broadcast_in_dim3A_112 : vector<16xi1>, vector<16xf32>
      %gt3A = arith.cmpf ogt, %select_n3A_143, %broadcast_in_dim3A_112 : vector<16xf32>
      %select_n3A_144 = arith.select %gt3A, %select_n3A_143, %broadcast_in_dim3A_112 : vector<16xi1>, vector<16xf32>
      %broadcast_in_dim3A_145 = arith.constant 0 : i32
      %broadcast_in_dim3A_146 = vector.broadcast %broadcast_in_dim3A_145 : i32 to vector<16xi32>
      %select_n3A_147 = arith.select %gt3A, %broadcast_in_dim3A_146, %broadcast_in_dim3A_122 : vector<16xi1>, vector<16xi32>
      %swap3A_148 = arith.constant 0 : i32
      %swap3A_149 = arith.constant 0 : i32
      %swap3A_150 = arith.index_cast %swap3A_148 : i32 to index
      %swap3A_151 = arith.index_cast %swap3A_149 : i32 to index
      %swap3A_152 = arith.index_cast %mul3A_120 : i32 to index
      %swap3A_153 = tpu.vector_load %arg10[%swap3A_150, %swap3A_151, %swap3A_152] {strides = array<i32>} : memref<6x4x512xf32, #tpu.memory_space<vmem>>, vector<16xf32>,
      tpu.vector_store %arg10[%swap3A_150, %swap3A_151, %swap3A_152], %select_n3A {strides = array<i32>} : memref<6x4x512xf32, #tpu.memory_space<vmem>>, vector<16xf32>,
      %get3A_154 = arith.constant 0 : i32
      %get3A_155 = arith.constant 2 : i32
      %get3A_156 = arith.index_cast %get3A_154 : i32 to index
      %get3A_157 = arith.index_cast %get3A_155 : i32 to index
      %get3A_158 = arith.index_cast %mul3A_120 : i32 to index
      %get3A_159 = tpu.vector_load %arg16[%get3A_156, %get3A_157, %get3A_158] {strides = array<i32>} : memref<6x8x512xi32, #tpu.memory_space<vmem>>, vector<16xi32>,
      %gather3A_160 = tpu.vector_load_idx %arg13[%get3A_159] : memref<1024xf32, #tpu.memory_space<vmem>>[vector<16xi32>], vector<16xf32>,
      %and3A_161 = arith.constant 256 : i32
      %and3A_162 = vector.broadcast %and3A_161 : i32 to vector<16xi32>
      %and3A_163 = arith.andi %get3A_131, %and3A_162 : vector<16xi32>
      %ne3A_164 = arith.constant 0 : i32
      %ne3A_165 = vector.broadcast %ne3A_164 : i32 to vector<16xi32>
      %ne3A_166 = arith.cmpi ne, %and3A_163, %ne3A_165 : vector<16xi32>
      %select_n3A_167 = arith.select %ne3A_166, %gather3A_160, %broadcast_in_dim3A_110 : vector<16xi1>, vector<16xf32>
      %select_n3A_168 = arith.select %eq3A_127, %select_n3A_167, %broadcast_in_dim3A_112 : vector<16xi1>, vector<16xf32>
      %gt3A_169 = arith.cmpf ogt, %select_n3A_168, %select_n3A_144 : vector<16xf32>
      %select_n3A_170 = arith.select %gt3A_169, %select_n3A_168, %select_n3A_144 : vector<16xi1>, vector<16xf32>
      %broadcast_in_dim3A_171 = arith.constant 1 : i32
      %broadcast_in_dim3A_172 = vector.broadcast %broadcast_in_dim3A_171 : i32 to vector<16xi32>
      %select_n3A_173 = arith.select %gt3A_169, %broadcast_in_dim3A_172, %select_n3A_147 : vector<16xi1>, vector<16xi32>
      %swap3A_174 = arith.constant 0 : i32
      %swap3A_175 = arith.constant 1 : i32
      %swap3A_176 = arith.index_cast %swap3A_174 : i32 to index
      %swap3A_177 = arith.index_cast %swap3A_175 : i32 to index
      %swap3A_178 = arith.index_cast %mul3A_120 : i32 to index
      %swap3A_179 = tpu.vector_load %arg10[%swap3A_176, %swap3A_177, %swap3A_178] {strides = array<i32>} : memref<6x4x512xf32, #tpu.memory_space<vmem>>, vector<16xf32>,
      tpu.vector_store %arg10[%swap3A_176, %swap3A_177, %swap3A_178], %select_n3A_167 {strides = array<i32>} : memref<6x4x512xf32, #tpu.memory_space<vmem>>, vector<16xf32>,
      %get3A_180 = arith.constant 0 : i32
      %get3A_181 = arith.constant 4 : i32
      %get3A_182 = arith.index_cast %get3A_180 : i32 to index
      %get3A_183 = arith.index_cast %get3A_181 : i32 to index
      %get3A_184 = arith.index_cast %mul3A_120 : i32 to index
      %get3A_185 = tpu.vector_load %arg16[%get3A_182, %get3A_183, %get3A_184] {strides = array<i32>} : memref<6x8x512xi32, #tpu.memory_space<vmem>>, vector<16xi32>,
      %gather3A_186 = tpu.vector_load_idx %arg13[%get3A_185] : memref<1024xf32, #tpu.memory_space<vmem>>[vector<16xi32>], vector<16xf32>,
      %and3A_187 = arith.constant 65536 : i32
      %and3A_188 = vector.broadcast %and3A_187 : i32 to vector<16xi32>
      %and3A_189 = arith.andi %get3A_131, %and3A_188 : vector<16xi32>
      %ne3A_190 = arith.constant 0 : i32
      %ne3A_191 = vector.broadcast %ne3A_190 : i32 to vector<16xi32>
      %ne3A_192 = arith.cmpi ne, %and3A_189, %ne3A_191 : vector<16xi32>
      %select_n3A_193 = arith.select %ne3A_192, %gather3A_186, %broadcast_in_dim3A_110 : vector<16xi1>, vector<16xf32>
      %select_n3A_194 = arith.select %eq3A_127, %select_n3A_193, %broadcast_in_dim3A_112 : vector<16xi1>, vector<16xf32>
      %gt3A_195 = arith.cmpf ogt, %select_n3A_194, %select_n3A_170 : vector<16xf32>
      %select_n3A_196 = arith.select %gt3A_195, %select_n3A_194, %select_n3A_170 : vector<16xi1>, vector<16xf32>
      %broadcast_in_dim3A_197 = arith.constant 2 : i32
      %broadcast_in_dim3A_198 = vector.broadcast %broadcast_in_dim3A_197 : i32 to vector<16xi32>
      %select_n3A_199 = arith.select %gt3A_195, %broadcast_in_dim3A_198, %select_n3A_173 : vector<16xi1>, vector<16xi32>
      %swap3A_200 = arith.constant 0 : i32
      %swap3A_201 = arith.constant 2 : i32
      %swap3A_202 = arith.index_cast %swap3A_200 : i32 to index
      %swap3A_203 = arith.index_cast %swap3A_201 : i32 to index
      %swap3A_204 = arith.index_cast %mul3A_120 : i32 to index
      %swap3A_205 = tpu.vector_load %arg10[%swap3A_202, %swap3A_203, %swap3A_204] {strides = array<i32>} : memref<6x4x512xf32, #tpu.memory_space<vmem>>, vector<16xf32>,
      tpu.vector_store %arg10[%swap3A_202, %swap3A_203, %swap3A_204], %select_n3A_193 {strides = array<i32>} : memref<6x4x512xf32, #tpu.memory_space<vmem>>, vector<16xf32>,
      %get3A_206 = arith.constant 0 : i32
      %get3A_207 = arith.constant 6 : i32
      %get3A_208 = arith.index_cast %get3A_206 : i32 to index
      %get3A_209 = arith.index_cast %get3A_207 : i32 to index
      %get3A_210 = arith.index_cast %mul3A_120 : i32 to index
      %get3A_211 = tpu.vector_load %arg16[%get3A_208, %get3A_209, %get3A_210] {strides = array<i32>} : memref<6x8x512xi32, #tpu.memory_space<vmem>>, vector<16xi32>,
      %gather3A_212 = tpu.vector_load_idx %arg13[%get3A_211] : memref<1024xf32, #tpu.memory_space<vmem>>[vector<16xi32>], vector<16xf32>,
      %and3A_213 = arith.constant 16777216 : i32
      %and3A_214 = vector.broadcast %and3A_213 : i32 to vector<16xi32>
      %and3A_215 = arith.andi %get3A_131, %and3A_214 : vector<16xi32>
      %ne3A_216 = arith.constant 0 : i32
      %ne3A_217 = vector.broadcast %ne3A_216 : i32 to vector<16xi32>
      %ne3A_218 = arith.cmpi ne, %and3A_215, %ne3A_217 : vector<16xi32>
      %select_n3A_219 = arith.select %ne3A_218, %gather3A_212, %broadcast_in_dim3A_110 : vector<16xi1>, vector<16xf32>
      %select_n3A_220 = arith.select %eq3A_127, %select_n3A_219, %broadcast_in_dim3A_112 : vector<16xi1>, vector<16xf32>
      %gt3A_221 = arith.cmpf ogt, %select_n3A_220, %select_n3A_196 : vector<16xf32>
      %select_n3A_222 = arith.select %gt3A_221, %select_n3A_220, %select_n3A_196 : vector<16xi1>, vector<16xf32>
      %broadcast_in_dim3A_223 = arith.constant 3 : i32
      %broadcast_in_dim3A_224 = vector.broadcast %broadcast_in_dim3A_223 : i32 to vector<16xi32>
      %select_n3A_225 = arith.select %gt3A_221, %broadcast_in_dim3A_224, %select_n3A_199 : vector<16xi1>, vector<16xi32>
      %swap3A_226 = arith.constant 0 : i32
      %swap3A_227 = arith.constant 3 : i32
      %swap3A_228 = arith.index_cast %swap3A_226 : i32 to index
      %swap3A_229 = arith.index_cast %swap3A_227 : i32 to index
      %swap3A_230 = arith.index_cast %mul3A_120 : i32 to index
      %swap3A_231 = tpu.vector_load %arg10[%swap3A_228, %swap3A_229, %swap3A_230] {strides = array<i32>} : memref<6x4x512xf32, #tpu.memory_space<vmem>>, vector<16xf32>,
      tpu.vector_store %arg10[%swap3A_228, %swap3A_229, %swap3A_230], %select_n3A_219 {strides = array<i32>} : memref<6x4x512xf32, #tpu.memory_space<vmem>>, vector<16xf32>,
      %get3A_232 = arith.constant 1 : i32
      %get3A_233 = arith.index_cast %get3A_232 : i32 to index
      %get3A_234 = arith.index_cast %mul3A_120 : i32 to index
      %get3A_235 = tpu.vector_load %arg7[%get3A_233, %get3A_234] {strides = array<i32>} : memref<6x512xi32, #tpu.memory_space<vmem>>, vector<16xi32>,
      %eq3A_236 = arith.constant 1 : i32
      %eq3A_237 = vector.broadcast %eq3A_236 : i32 to vector<16xi32>
      %eq3A_238 = arith.cmpi eq, %get3A_235, %eq3A_237 : vector<16xi32>
      %get3A_239 = arith.constant 1 : i32
      %get3A_240 = arith.index_cast %get3A_239 : i32 to index
      %get3A_241 = arith.index_cast %mul3A_120 : i32 to index
      %get3A_242 = tpu.vector_load %arg9[%get3A_240, %get3A_241] {strides = array<i32>} : memref<6x512xi32, #tpu.memory_space<vmem>>, vector<16xi32>,
      %get3A_243 = arith.constant 1 : i32
      %get3A_244 = arith.constant 0 : i32
      %get3A_245 = arith.index_cast %get3A_243 : i32 to index
      %get3A_246 = arith.index_cast %get3A_244 : i32 to index
      %get3A_247 = arith.index_cast %mul3A_120 : i32 to index
      %get3A_248 = tpu.vector_load %arg16[%get3A_245, %get3A_246, %get3A_247] {strides = array<i32>} : memref<6x8x512xi32, #tpu.memory_space<vmem>>, vector<16xi32>,
      %gather3A_249 = tpu.vector_load_idx %arg13[%get3A_248] : memref<1024xf32, #tpu.memory_space<vmem>>[vector<16xi32>], vector<16xf32>,
      %and3A_250 = arith.constant 1 : i32
      %and3A_251 = vector.broadcast %and3A_250 : i32 to vector<16xi32>
      %and3A_252 = arith.andi %get3A_242, %and3A_251 : vector<16xi32>
      %ne3A_253 = arith.constant 0 : i32
      %ne3A_254 = vector.broadcast %ne3A_253 : i32 to vector<16xi32>
      %ne3A_255 = arith.cmpi ne, %and3A_252, %ne3A_254 : vector<16xi32>
      %select_n3A_256 = arith.select %ne3A_255, %gather3A_249, %broadcast_in_dim3A_110 : vector<16xi1>, vector<16xf32>
      %select_n3A_257 = arith.select %eq3A_238, %select_n3A_256, %broadcast_in_dim3A_112 : vector<16xi1>, vector<16xf32>
      %gt3A_258 = arith.cmpf ogt, %select_n3A_257, %select_n3A_222 : vector<16xf32>
      %select_n3A_259 = arith.select %gt3A_258, %select_n3A_257, %select_n3A_222 : vector<16xi1>, vector<16xf32>
      %broadcast_in_dim3A_260 = arith.constant 4 : i32
      %broadcast_in_dim3A_261 = vector.broadcast %broadcast_in_dim3A_260 : i32 to vector<16xi32>
      %select_n3A_262 = arith.select %gt3A_258, %broadcast_in_dim3A_261, %select_n3A_225 : vector<16xi1>, vector<16xi32>
      %swap3A_263 = arith.constant 1 : i32
      %swap3A_264 = arith.constant 0 : i32
      %swap3A_265 = arith.index_cast %swap3A_263 : i32 to index
      %swap3A_266 = arith.index_cast %swap3A_264 : i32 to index
      %swap3A_267 = arith.index_cast %mul3A_120 : i32 to index
      %swap3A_268 = tpu.vector_load %arg10[%swap3A_265, %swap3A_266, %swap3A_267] {strides = array<i32>} : memref<6x4x512xf32, #tpu.memory_space<vmem>>, vector<16xf32>,
      tpu.vector_store %arg10[%swap3A_265, %swap3A_266, %swap3A_267], %select_n3A_256 {strides = array<i32>} : memref<6x4x512xf32, #tpu.memory_space<vmem>>, vector<16xf32>,
      %get3A_269 = arith.constant 1 : i32
      %get3A_270 = arith.constant 2 : i32
      %get3A_271 = arith.index_cast %get3A_269 : i32 to index
      %get3A_272 = arith.index_cast %get3A_270 : i32 to index
      %get3A_273 = arith.index_cast %mul3A_120 : i32 to index
      %get3A_274 = tpu.vector_load %arg16[%get3A_271, %get3A_272, %get3A_273] {strides = array<i32>} : memref<6x8x512xi32, #tpu.memory_space<vmem>>, vector<16xi32>,
      %gather3A_275 = tpu.vector_load_idx %arg13[%get3A_274] : memref<1024xf32, #tpu.memory_space<vmem>>[vector<16xi32>], vector<16xf32>,
      %and3A_276 = arith.constant 256 : i32
      %and3A_277 = vector.broadcast %and3A_276 : i32 to vector<16xi32>
      %and3A_278 = arith.andi %get3A_242, %and3A_277 : vector<16xi32>
      %ne3A_279 = arith.constant 0 : i32
      %ne3A_280 = vector.broadcast %ne3A_279 : i32 to vector<16xi32>
      %ne3A_281 = arith.cmpi ne, %and3A_278, %ne3A_280 : vector<16xi32>
      %select_n3A_282 = arith.select %ne3A_281, %gather3A_275, %broadcast_in_dim3A_110 : vector<16xi1>, vector<16xf32>
      %select_n3A_283 = arith.select %eq3A_238, %select_n3A_282, %broadcast_in_dim3A_112 : vector<16xi1>, vector<16xf32>
      %gt3A_284 = arith.cmpf ogt, %select_n3A_283, %select_n3A_259 : vector<16xf32>
      %select_n3A_285 = arith.select %gt3A_284, %select_n3A_283, %select_n3A_259 : vector<16xi1>, vector<16xf32>
      %broadcast_in_dim3A_286 = arith.constant 5 : i32
      %broadcast_in_dim3A_287 = vector.broadcast %broadcast_in_dim3A_286 : i32 to vector<16xi32>
      %select_n3A_288 = arith.select %gt3A_284, %broadcast_in_dim3A_287, %select_n3A_262 : vector<16xi1>, vector<16xi32>
      %swap3A_289 = arith.constant 1 : i32
      %swap3A_290 = arith.constant 1 : i32
      %swap3A_291 = arith.index_cast %swap3A_289 : i32 to index
      %swap3A_292 = arith.index_cast %swap3A_290 : i32 to index
      %swap3A_293 = arith.index_cast %mul3A_120 : i32 to index
      %swap3A_294 = tpu.vector_load %arg10[%swap3A_291, %swap3A_292, %swap3A_293] {strides = array<i32>} : memref<6x4x512xf32, #tpu.memory_space<vmem>>, vector<16xf32>,
      tpu.vector_store %arg10[%swap3A_291, %swap3A_292, %swap3A_293], %select_n3A_282 {strides = array<i32>} : memref<6x4x512xf32, #tpu.memory_space<vmem>>, vector<16xf32>,
      %get3A_295 = arith.constant 1 : i32
      %get3A_296 = arith.constant 4 : i32
      %get3A_297 = arith.index_cast %get3A_295 : i32 to index
      %get3A_298 = arith.index_cast %get3A_296 : i32 to index
      %get3A_299 = arith.index_cast %mul3A_120 : i32 to index
      %get3A_300 = tpu.vector_load %arg16[%get3A_297, %get3A_298, %get3A_299] {strides = array<i32>} : memref<6x8x512xi32, #tpu.memory_space<vmem>>, vector<16xi32>,
      %gather3A_301 = tpu.vector_load_idx %arg13[%get3A_300] : memref<1024xf32, #tpu.memory_space<vmem>>[vector<16xi32>], vector<16xf32>,
      %and3A_302 = arith.constant 65536 : i32
      %and3A_303 = vector.broadcast %and3A_302 : i32 to vector<16xi32>
      %and3A_304 = arith.andi %get3A_242, %and3A_303 : vector<16xi32>
      %ne3A_305 = arith.constant 0 : i32
      %ne3A_306 = vector.broadcast %ne3A_305 : i32 to vector<16xi32>
      %ne3A_307 = arith.cmpi ne, %and3A_304, %ne3A_306 : vector<16xi32>
      %select_n3A_308 = arith.select %ne3A_307, %gather3A_301, %broadcast_in_dim3A_110 : vector<16xi1>, vector<16xf32>
      %select_n3A_309 = arith.select %eq3A_238, %select_n3A_308, %broadcast_in_dim3A_112 : vector<16xi1>, vector<16xf32>
      %gt3A_310 = arith.cmpf ogt, %select_n3A_309, %select_n3A_285 : vector<16xf32>
      %select_n3A_311 = arith.select %gt3A_310, %select_n3A_309, %select_n3A_285 : vector<16xi1>, vector<16xf32>
      %broadcast_in_dim3A_312 = arith.constant 6 : i32
      %broadcast_in_dim3A_313 = vector.broadcast %broadcast_in_dim3A_312 : i32 to vector<16xi32>
      %select_n3A_314 = arith.select %gt3A_310, %broadcast_in_dim3A_313, %select_n3A_288 : vector<16xi1>, vector<16xi32>
      %swap3A_315 = arith.constant 1 : i32
      %swap3A_316 = arith.constant 2 : i32
      %swap3A_317 = arith.index_cast %swap3A_315 : i32 to index
      %swap3A_318 = arith.index_cast %swap3A_316 : i32 to index
      %swap3A_319 = arith.index_cast %mul3A_120 : i32 to index
      %swap3A_320 = tpu.vector_load %arg10[%swap3A_317, %swap3A_318, %swap3A_319] {strides = array<i32>} : memref<6x4x512xf32, #tpu.memory_space<vmem>>, vector<16xf32>,
      tpu.vector_store %arg10[%swap3A_317, %swap3A_318, %swap3A_319], %select_n3A_308 {strides = array<i32>} : memref<6x4x512xf32, #tpu.memory_space<vmem>>, vector<16xf32>,
      %get3A_321 = arith.constant 1 : i32
      %get3A_322 = arith.constant 6 : i32
      %get3A_323 = arith.index_cast %get3A_321 : i32 to index
      %get3A_324 = arith.index_cast %get3A_322 : i32 to index
      %get3A_325 = arith.index_cast %mul3A_120 : i32 to index
      %get3A_326 = tpu.vector_load %arg16[%get3A_323, %get3A_324, %get3A_325] {strides = array<i32>} : memref<6x8x512xi32, #tpu.memory_space<vmem>>, vector<16xi32>,
      %gather3A_327 = tpu.vector_load_idx %arg13[%get3A_326] : memref<1024xf32, #tpu.memory_space<vmem>>[vector<16xi32>], vector<16xf32>,
      %and3A_328 = arith.constant 16777216 : i32
      %and3A_329 = vector.broadcast %and3A_328 : i32 to vector<16xi32>
      %and3A_330 = arith.andi %get3A_242, %and3A_329 : vector<16xi32>
      %ne3A_331 = arith.constant 0 : i32
      %ne3A_332 = vector.broadcast %ne3A_331 : i32 to vector<16xi32>
      %ne3A_333 = arith.cmpi ne, %and3A_330, %ne3A_332 : vector<16xi32>
      %select_n3A_334 = arith.select %ne3A_333, %gather3A_327, %broadcast_in_dim3A_110 : vector<16xi1>, vector<16xf32>
      %select_n3A_335 = arith.select %eq3A_238, %select_n3A_334, %broadcast_in_dim3A_112 : vector<16xi1>, vector<16xf32>
      %gt3A_336 = arith.cmpf ogt, %select_n3A_335, %select_n3A_311 : vector<16xf32>
      %select_n3A_337 = arith.select %gt3A_336, %select_n3A_335, %select_n3A_311 : vector<16xi1>, vector<16xf32>
      %broadcast_in_dim3A_338 = arith.constant 7 : i32
      %broadcast_in_dim3A_339 = vector.broadcast %broadcast_in_dim3A_338 : i32 to vector<16xi32>
      %select_n3A_340 = arith.select %gt3A_336, %broadcast_in_dim3A_339, %select_n3A_314 : vector<16xi1>, vector<16xi32>
      %swap3A_341 = arith.constant 1 : i32
      %swap3A_342 = arith.constant 3 : i32
      %swap3A_343 = arith.index_cast %swap3A_341 : i32 to index
      %swap3A_344 = arith.index_cast %swap3A_342 : i32 to index
      %swap3A_345 = arith.index_cast %mul3A_120 : i32 to index
      %swap3A_346 = tpu.vector_load %arg10[%swap3A_343, %swap3A_344, %swap3A_345] {strides = array<i32>} : memref<6x4x512xf32, #tpu.memory_space<vmem>>, vector<16xf32>,
      tpu.vector_store %arg10[%swap3A_343, %swap3A_344, %swap3A_345], %select_n3A_334 {strides = array<i32>} : memref<6x4x512xf32, #tpu.memory_space<vmem>>, vector<16xf32>,
      %get3A_347 = arith.constant 2 : i32
      %get3A_348 = arith.index_cast %get3A_347 : i32 to index
      %get3A_349 = arith.index_cast %mul3A_120 : i32 to index
      %get3A_350 = tpu.vector_load %arg7[%get3A_348, %get3A_349] {strides = array<i32>} : memref<6x512xi32, #tpu.memory_space<vmem>>, vector<16xi32>,
      %eq3A_351 = arith.constant 1 : i32
      %eq3A_352 = vector.broadcast %eq3A_351 : i32 to vector<16xi32>
      %eq3A_353 = arith.cmpi eq, %get3A_350, %eq3A_352 : vector<16xi32>
      %get3A_354 = arith.constant 2 : i32
      %get3A_355 = arith.index_cast %get3A_354 : i32 to index
      %get3A_356 = arith.index_cast %mul3A_120 : i32 to index
      %get3A_357 = tpu.vector_load %arg9[%get3A_355, %get3A_356] {strides = array<i32>} : memref<6x512xi32, #tpu.memory_space<vmem>>, vector<16xi32>,
      %get3A_358 = arith.constant 2 : i32
      %get3A_359 = arith.constant 0 : i32
      %get3A_360 = arith.index_cast %get3A_358 : i32 to index
      %get3A_361 = arith.index_cast %get3A_359 : i32 to index
      %get3A_362 = arith.index_cast %mul3A_120 : i32 to index
      %get3A_363 = tpu.vector_load %arg16[%get3A_360, %get3A_361, %get3A_362] {strides = array<i32>} : memref<6x8x512xi32, #tpu.memory_space<vmem>>, vector<16xi32>,
      %gather3A_364 = tpu.vector_load_idx %arg13[%get3A_363] : memref<1024xf32, #tpu.memory_space<vmem>>[vector<16xi32>], vector<16xf32>,
      %and3A_365 = arith.constant 1 : i32
      %and3A_366 = vector.broadcast %and3A_365 : i32 to vector<16xi32>
      %and3A_367 = arith.andi %get3A_357, %and3A_366 : vector<16xi32>
      %ne3A_368 = arith.constant 0 : i32
      %ne3A_369 = vector.broadcast %ne3A_368 : i32 to vector<16xi32>
      %ne3A_370 = arith.cmpi ne, %and3A_367, %ne3A_369 : vector<16xi32>
      %select_n3A_371 = arith.select %ne3A_370, %gather3A_364, %broadcast_in_dim3A_110 : vector<16xi1>, vector<16xf32>
      %select_n3A_372 = arith.select %eq3A_353, %select_n3A_371, %broadcast_in_dim3A_112 : vector<16xi1>, vector<16xf32>
      %gt3A_373 = arith.cmpf ogt, %select_n3A_372, %select_n3A_337 : vector<16xf32>
      %select_n3A_374 = arith.select %gt3A_373, %select_n3A_372, %select_n3A_337 : vector<16xi1>, vector<16xf32>
      %broadcast_in_dim3A_375 = arith.constant 8 : i32
      %broadcast_in_dim3A_376 = vector.broadcast %broadcast_in_dim3A_375 : i32 to vector<16xi32>
      %select_n3A_377 = arith.select %gt3A_373, %broadcast_in_dim3A_376, %select_n3A_340 : vector<16xi1>, vector<16xi32>
      %swap3A_378 = arith.constant 2 : i32
      %swap3A_379 = arith.constant 0 : i32
      %swap3A_380 = arith.index_cast %swap3A_378 : i32 to index
      %swap3A_381 = arith.index_cast %swap3A_379 : i32 to index
      %swap3A_382 = arith.index_cast %mul3A_120 : i32 to index
      %swap3A_383 = tpu.vector_load %arg10[%swap3A_380, %swap3A_381, %swap3A_382] {strides = array<i32>} : memref<6x4x512xf32, #tpu.memory_space<vmem>>, vector<16xf32>,
      tpu.vector_store %arg10[%swap3A_380, %swap3A_381, %swap3A_382], %select_n3A_371 {strides = array<i32>} : memref<6x4x512xf32, #tpu.memory_space<vmem>>, vector<16xf32>,
      %get3A_384 = arith.constant 2 : i32
      %get3A_385 = arith.constant 2 : i32
      %get3A_386 = arith.index_cast %get3A_384 : i32 to index
      %get3A_387 = arith.index_cast %get3A_385 : i32 to index
      %get3A_388 = arith.index_cast %mul3A_120 : i32 to index
      %get3A_389 = tpu.vector_load %arg16[%get3A_386, %get3A_387, %get3A_388] {strides = array<i32>} : memref<6x8x512xi32, #tpu.memory_space<vmem>>, vector<16xi32>,
      %gather3A_390 = tpu.vector_load_idx %arg13[%get3A_389] : memref<1024xf32, #tpu.memory_space<vmem>>[vector<16xi32>], vector<16xf32>,
      %and3A_391 = arith.constant 256 : i32
      %and3A_392 = vector.broadcast %and3A_391 : i32 to vector<16xi32>
      %and3A_393 = arith.andi %get3A_357, %and3A_392 : vector<16xi32>
      %ne3A_394 = arith.constant 0 : i32
      %ne3A_395 = vector.broadcast %ne3A_394 : i32 to vector<16xi32>
      %ne3A_396 = arith.cmpi ne, %and3A_393, %ne3A_395 : vector<16xi32>
      %select_n3A_397 = arith.select %ne3A_396, %gather3A_390, %broadcast_in_dim3A_110 : vector<16xi1>, vector<16xf32>
      %select_n3A_398 = arith.select %eq3A_353, %select_n3A_397, %broadcast_in_dim3A_112 : vector<16xi1>, vector<16xf32>
      %gt3A_399 = arith.cmpf ogt, %select_n3A_398, %select_n3A_374 : vector<16xf32>
      %select_n3A_400 = arith.select %gt3A_399, %select_n3A_398, %select_n3A_374 : vector<16xi1>, vector<16xf32>
      %broadcast_in_dim3A_401 = arith.constant 9 : i32
      %broadcast_in_dim3A_402 = vector.broadcast %broadcast_in_dim3A_401 : i32 to vector<16xi32>
      %select_n3A_403 = arith.select %gt3A_399, %broadcast_in_dim3A_402, %select_n3A_377 : vector<16xi1>, vector<16xi32>
      %swap3A_404 = arith.constant 2 : i32
      %swap3A_405 = arith.constant 1 : i32
      %swap3A_406 = arith.index_cast %swap3A_404 : i32 to index
      %swap3A_407 = arith.index_cast %swap3A_405 : i32 to index
      %swap3A_408 = arith.index_cast %mul3A_120 : i32 to index
      %swap3A_409 = tpu.vector_load %arg10[%swap3A_406, %swap3A_407, %swap3A_408] {strides = array<i32>} : memref<6x4x512xf32, #tpu.memory_space<vmem>>, vector<16xf32>,
      tpu.vector_store %arg10[%swap3A_406, %swap3A_407, %swap3A_408], %select_n3A_397 {strides = array<i32>} : memref<6x4x512xf32, #tpu.memory_space<vmem>>, vector<16xf32>,
      %get3A_410 = arith.constant 2 : i32
      %get3A_411 = arith.constant 4 : i32
      %get3A_412 = arith.index_cast %get3A_410 : i32 to index
      %get3A_413 = arith.index_cast %get3A_411 : i32 to index
      %get3A_414 = arith.index_cast %mul3A_120 : i32 to index
      %get3A_415 = tpu.vector_load %arg16[%get3A_412, %get3A_413, %get3A_414] {strides = array<i32>} : memref<6x8x512xi32, #tpu.memory_space<vmem>>, vector<16xi32>,
      %gather3A_416 = tpu.vector_load_idx %arg13[%get3A_415] : memref<1024xf32, #tpu.memory_space<vmem>>[vector<16xi32>], vector<16xf32>,
      %and3A_417 = arith.constant 65536 : i32
      %and3A_418 = vector.broadcast %and3A_417 : i32 to vector<16xi32>
      %and3A_419 = arith.andi %get3A_357, %and3A_418 : vector<16xi32>
      %ne3A_420 = arith.constant 0 : i32
      %ne3A_421 = vector.broadcast %ne3A_420 : i32 to vector<16xi32>
      %ne3A_422 = arith.cmpi ne, %and3A_419, %ne3A_421 : vector<16xi32>
      %select_n3A_423 = arith.select %ne3A_422, %gather3A_416, %broadcast_in_dim3A_110 : vector<16xi1>, vector<16xf32>
      %select_n3A_424 = arith.select %eq3A_353, %select_n3A_423, %broadcast_in_dim3A_112 : vector<16xi1>, vector<16xf32>
      %gt3A_425 = arith.cmpf ogt, %select_n3A_424, %select_n3A_400 : vector<16xf32>
      %select_n3A_426 = arith.select %gt3A_425, %select_n3A_424, %select_n3A_400 : vector<16xi1>, vector<16xf32>
      %broadcast_in_dim3A_427 = arith.constant 10 : i32
      %broadcast_in_dim3A_428 = vector.broadcast %broadcast_in_dim3A_427 : i32 to vector<16xi32>
      %select_n3A_429 = arith.select %gt3A_425, %broadcast_in_dim3A_428, %select_n3A_403 : vector<16xi1>, vector<16xi32>
      %swap3A_430 = arith.constant 2 : i32
      %swap3A_431 = arith.constant 2 : i32
      %swap3A_432 = arith.index_cast %swap3A_430 : i32 to index
      %swap3A_433 = arith.index_cast %swap3A_431 : i32 to index
      %swap3A_434 = arith.index_cast %mul3A_120 : i32 to index
      %swap3A_435 = tpu.vector_load %arg10[%swap3A_432, %swap3A_433, %swap3A_434] {strides = array<i32>} : memref<6x4x512xf32, #tpu.memory_space<vmem>>, vector<16xf32>,
      tpu.vector_store %arg10[%swap3A_432, %swap3A_433, %swap3A_434], %select_n3A_423 {strides = array<i32>} : memref<6x4x512xf32, #tpu.memory_space<vmem>>, vector<16xf32>,
      %get3A_436 = arith.constant 2 : i32
      %get3A_437 = arith.constant 6 : i32
      %get3A_438 = arith.index_cast %get3A_436 : i32 to index
      %get3A_439 = arith.index_cast %get3A_437 : i32 to index
      %get3A_440 = arith.index_cast %mul3A_120 : i32 to index
      %get3A_441 = tpu.vector_load %arg16[%get3A_438, %get3A_439, %get3A_440] {strides = array<i32>} : memref<6x8x512xi32, #tpu.memory_space<vmem>>, vector<16xi32>,
      %gather3A_442 = tpu.vector_load_idx %arg13[%get3A_441] : memref<1024xf32, #tpu.memory_space<vmem>>[vector<16xi32>], vector<16xf32>,
      %and3A_443 = arith.constant 16777216 : i32
      %and3A_444 = vector.broadcast %and3A_443 : i32 to vector<16xi32>
      %and3A_445 = arith.andi %get3A_357, %and3A_444 : vector<16xi32>
      %ne3A_446 = arith.constant 0 : i32
      %ne3A_447 = vector.broadcast %ne3A_446 : i32 to vector<16xi32>
      %ne3A_448 = arith.cmpi ne, %and3A_445, %ne3A_447 : vector<16xi32>
      %select_n3A_449 = arith.select %ne3A_448, %gather3A_442, %broadcast_in_dim3A_110 : vector<16xi1>, vector<16xf32>
      %select_n3A_450 = arith.select %eq3A_353, %select_n3A_449, %broadcast_in_dim3A_112 : vector<16xi1>, vector<16xf32>
      %gt3A_451 = arith.cmpf ogt, %select_n3A_450, %select_n3A_426 : vector<16xf32>
      %select_n3A_452 = arith.select %gt3A_451, %select_n3A_450, %select_n3A_426 : vector<16xi1>, vector<16xf32>
      %broadcast_in_dim3A_453 = arith.constant 11 : i32
      %broadcast_in_dim3A_454 = vector.broadcast %broadcast_in_dim3A_453 : i32 to vector<16xi32>
      %select_n3A_455 = arith.select %gt3A_451, %broadcast_in_dim3A_454, %select_n3A_429 : vector<16xi1>, vector<16xi32>
      %swap3A_456 = arith.constant 2 : i32
      %swap3A_457 = arith.constant 3 : i32
      %swap3A_458 = arith.index_cast %swap3A_456 : i32 to index
      %swap3A_459 = arith.index_cast %swap3A_457 : i32 to index
      %swap3A_460 = arith.index_cast %mul3A_120 : i32 to index
      %swap3A_461 = tpu.vector_load %arg10[%swap3A_458, %swap3A_459, %swap3A_460] {strides = array<i32>} : memref<6x4x512xf32, #tpu.memory_space<vmem>>, vector<16xf32>,
      tpu.vector_store %arg10[%swap3A_458, %swap3A_459, %swap3A_460], %select_n3A_449 {strides = array<i32>} : memref<6x4x512xf32, #tpu.memory_space<vmem>>, vector<16xf32>,
      %get3A_462 = arith.constant 3 : i32
      %get3A_463 = arith.index_cast %get3A_462 : i32 to index
      %get3A_464 = arith.index_cast %mul3A_120 : i32 to index
      %get3A_465 = tpu.vector_load %arg7[%get3A_463, %get3A_464] {strides = array<i32>} : memref<6x512xi32, #tpu.memory_space<vmem>>, vector<16xi32>,
      %eq3A_466 = arith.constant 1 : i32
      %eq3A_467 = vector.broadcast %eq3A_466 : i32 to vector<16xi32>
      %eq3A_468 = arith.cmpi eq, %get3A_465, %eq3A_467 : vector<16xi32>
      %get3A_469 = arith.constant 3 : i32
      %get3A_470 = arith.index_cast %get3A_469 : i32 to index
      %get3A_471 = arith.index_cast %mul3A_120 : i32 to index
      %get3A_472 = tpu.vector_load %arg9[%get3A_470, %get3A_471] {strides = array<i32>} : memref<6x512xi32, #tpu.memory_space<vmem>>, vector<16xi32>,
      %get3A_473 = arith.constant 3 : i32
      %get3A_474 = arith.constant 0 : i32
      %get3A_475 = arith.index_cast %get3A_473 : i32 to index
      %get3A_476 = arith.index_cast %get3A_474 : i32 to index
      %get3A_477 = arith.index_cast %mul3A_120 : i32 to index
      %get3A_478 = tpu.vector_load %arg16[%get3A_475, %get3A_476, %get3A_477] {strides = array<i32>} : memref<6x8x512xi32, #tpu.memory_space<vmem>>, vector<16xi32>,
      %gather3A_479 = tpu.vector_load_idx %arg13[%get3A_478] : memref<1024xf32, #tpu.memory_space<vmem>>[vector<16xi32>], vector<16xf32>,
      %and3A_480 = arith.constant 1 : i32
      %and3A_481 = vector.broadcast %and3A_480 : i32 to vector<16xi32>
      %and3A_482 = arith.andi %get3A_472, %and3A_481 : vector<16xi32>
      %ne3A_483 = arith.constant 0 : i32
      %ne3A_484 = vector.broadcast %ne3A_483 : i32 to vector<16xi32>
      %ne3A_485 = arith.cmpi ne, %and3A_482, %ne3A_484 : vector<16xi32>
      %select_n3A_486 = arith.select %ne3A_485, %gather3A_479, %broadcast_in_dim3A_110 : vector<16xi1>, vector<16xf32>
      %select_n3A_487 = arith.select %eq3A_468, %select_n3A_486, %broadcast_in_dim3A_112 : vector<16xi1>, vector<16xf32>
      %gt3A_488 = arith.cmpf ogt, %select_n3A_487, %select_n3A_452 : vector<16xf32>
      %select_n3A_489 = arith.select %gt3A_488, %select_n3A_487, %select_n3A_452 : vector<16xi1>, vector<16xf32>
      %broadcast_in_dim3A_490 = arith.constant 12 : i32
      %broadcast_in_dim3A_491 = vector.broadcast %broadcast_in_dim3A_490 : i32 to vector<16xi32>
      %select_n3A_492 = arith.select %gt3A_488, %broadcast_in_dim3A_491, %select_n3A_455 : vector<16xi1>, vector<16xi32>
      %swap3A_493 = arith.constant 3 : i32
      %swap3A_494 = arith.constant 0 : i32
      %swap3A_495 = arith.index_cast %swap3A_493 : i32 to index
      %swap3A_496 = arith.index_cast %swap3A_494 : i32 to index
      %swap3A_497 = arith.index_cast %mul3A_120 : i32 to index
      %swap3A_498 = tpu.vector_load %arg10[%swap3A_495, %swap3A_496, %swap3A_497] {strides = array<i32>} : memref<6x4x512xf32, #tpu.memory_space<vmem>>, vector<16xf32>,
      tpu.vector_store %arg10[%swap3A_495, %swap3A_496, %swap3A_497], %select_n3A_486 {strides = array<i32>} : memref<6x4x512xf32, #tpu.memory_space<vmem>>, vector<16xf32>,
      %get3A_499 = arith.constant 3 : i32
      %get3A_500 = arith.constant 2 : i32
      %get3A_501 = arith.index_cast %get3A_499 : i32 to index
      %get3A_502 = arith.index_cast %get3A_500 : i32 to index
      %get3A_503 = arith.index_cast %mul3A_120 : i32 to index
      %get3A_504 = tpu.vector_load %arg16[%get3A_501, %get3A_502, %get3A_503] {strides = array<i32>} : memref<6x8x512xi32, #tpu.memory_space<vmem>>, vector<16xi32>,
      %gather3A_505 = tpu.vector_load_idx %arg13[%get3A_504] : memref<1024xf32, #tpu.memory_space<vmem>>[vector<16xi32>], vector<16xf32>,
      %and3A_506 = arith.constant 256 : i32
      %and3A_507 = vector.broadcast %and3A_506 : i32 to vector<16xi32>
      %and3A_508 = arith.andi %get3A_472, %and3A_507 : vector<16xi32>
      %ne3A_509 = arith.constant 0 : i32
      %ne3A_510 = vector.broadcast %ne3A_509 : i32 to vector<16xi32>
      %ne3A_511 = arith.cmpi ne, %and3A_508, %ne3A_510 : vector<16xi32>
      %select_n3A_512 = arith.select %ne3A_511, %gather3A_505, %broadcast_in_dim3A_110 : vector<16xi1>, vector<16xf32>
      %select_n3A_513 = arith.select %eq3A_468, %select_n3A_512, %broadcast_in_dim3A_112 : vector<16xi1>, vector<16xf32>
      %gt3A_514 = arith.cmpf ogt, %select_n3A_513, %select_n3A_489 : vector<16xf32>
      %select_n3A_515 = arith.select %gt3A_514, %select_n3A_513, %select_n3A_489 : vector<16xi1>, vector<16xf32>
      %broadcast_in_dim3A_516 = arith.constant 13 : i32
      %broadcast_in_dim3A_517 = vector.broadcast %broadcast_in_dim3A_516 : i32 to vector<16xi32>
      %select_n3A_518 = arith.select %gt3A_514, %broadcast_in_dim3A_517, %select_n3A_492 : vector<16xi1>, vector<16xi32>
      %swap3A_519 = arith.constant 3 : i32
      %swap3A_520 = arith.constant 1 : i32
      %swap3A_521 = arith.index_cast %swap3A_519 : i32 to index
      %swap3A_522 = arith.index_cast %swap3A_520 : i32 to index
      %swap3A_523 = arith.index_cast %mul3A_120 : i32 to index
      %swap3A_524 = tpu.vector_load %arg10[%swap3A_521, %swap3A_522, %swap3A_523] {strides = array<i32>} : memref<6x4x512xf32, #tpu.memory_space<vmem>>, vector<16xf32>,
      tpu.vector_store %arg10[%swap3A_521, %swap3A_522, %swap3A_523], %select_n3A_512 {strides = array<i32>} : memref<6x4x512xf32, #tpu.memory_space<vmem>>, vector<16xf32>,
      %get3A_525 = arith.constant 3 : i32
      %get3A_526 = arith.constant 4 : i32
      %get3A_527 = arith.index_cast %get3A_525 : i32 to index
      %get3A_528 = arith.index_cast %get3A_526 : i32 to index
      %get3A_529 = arith.index_cast %mul3A_120 : i32 to index
      %get3A_530 = tpu.vector_load %arg16[%get3A_527, %get3A_528, %get3A_529] {strides = array<i32>} : memref<6x8x512xi32, #tpu.memory_space<vmem>>, vector<16xi32>,
      %gather3A_531 = tpu.vector_load_idx %arg13[%get3A_530] : memref<1024xf32, #tpu.memory_space<vmem>>[vector<16xi32>], vector<16xf32>,
      %and3A_532 = arith.constant 65536 : i32
      %and3A_533 = vector.broadcast %and3A_532 : i32 to vector<16xi32>
      %and3A_534 = arith.andi %get3A_472, %and3A_533 : vector<16xi32>
      %ne3A_535 = arith.constant 0 : i32
      %ne3A_536 = vector.broadcast %ne3A_535 : i32 to vector<16xi32>
      %ne3A_537 = arith.cmpi ne, %and3A_534, %ne3A_536 : vector<16xi32>
      %select_n3A_538 = arith.select %ne3A_537, %gather3A_531, %broadcast_in_dim3A_110 : vector<16xi1>, vector<16xf32>
      %select_n3A_539 = arith.select %eq3A_468, %select_n3A_538, %broadcast_in_dim3A_112 : vector<16xi1>, vector<16xf32>
      %gt3A_540 = arith.cmpf ogt, %select_n3A_539, %select_n3A_515 : vector<16xf32>
      %select_n3A_541 = arith.select %gt3A_540, %select_n3A_539, %select_n3A_515 : vector<16xi1>, vector<16xf32>
      %broadcast_in_dim3A_542 = arith.constant 14 : i32
      %broadcast_in_dim3A_543 = vector.broadcast %broadcast_in_dim3A_542 : i32 to vector<16xi32>
      %select_n3A_544 = arith.select %gt3A_540, %broadcast_in_dim3A_543, %select_n3A_518 : vector<16xi1>, vector<16xi32>
      %swap3A_545 = arith.constant 3 : i32
      %swap3A_546 = arith.constant 2 : i32
      %swap3A_547 = arith.index_cast %swap3A_545 : i32 to index
      %swap3A_548 = arith.index_cast %swap3A_546 : i32 to index
      %swap3A_549 = arith.index_cast %mul3A_120 : i32 to index
      %swap3A_550 = tpu.vector_load %arg10[%swap3A_547, %swap3A_548, %swap3A_549] {strides = array<i32>} : memref<6x4x512xf32, #tpu.memory_space<vmem>>, vector<16xf32>,
      tpu.vector_store %arg10[%swap3A_547, %swap3A_548, %swap3A_549], %select_n3A_538 {strides = array<i32>} : memref<6x4x512xf32, #tpu.memory_space<vmem>>, vector<16xf32>,
      %get3A_551 = arith.constant 3 : i32
      %get3A_552 = arith.constant 6 : i32
      %get3A_553 = arith.index_cast %get3A_551 : i32 to index
      %get3A_554 = arith.index_cast %get3A_552 : i32 to index
      %get3A_555 = arith.index_cast %mul3A_120 : i32 to index
      %get3A_556 = tpu.vector_load %arg16[%get3A_553, %get3A_554, %get3A_555] {strides = array<i32>} : memref<6x8x512xi32, #tpu.memory_space<vmem>>, vector<16xi32>,
      %gather3A_557 = tpu.vector_load_idx %arg13[%get3A_556] : memref<1024xf32, #tpu.memory_space<vmem>>[vector<16xi32>], vector<16xf32>,
      %and3A_558 = arith.constant 16777216 : i32
      %and3A_559 = vector.broadcast %and3A_558 : i32 to vector<16xi32>
      %and3A_560 = arith.andi %get3A_472, %and3A_559 : vector<16xi32>
      %ne3A_561 = arith.constant 0 : i32
      %ne3A_562 = vector.broadcast %ne3A_561 : i32 to vector<16xi32>
      %ne3A_563 = arith.cmpi ne, %and3A_560, %ne3A_562 : vector<16xi32>
      %select_n3A_564 = arith.select %ne3A_563, %gather3A_557, %broadcast_in_dim3A_110 : vector<16xi1>, vector<16xf32>
      %select_n3A_565 = arith.select %eq3A_468, %select_n3A_564, %broadcast_in_dim3A_112 : vector<16xi1>, vector<16xf32>
      %gt3A_566 = arith.cmpf ogt, %select_n3A_565, %select_n3A_541 : vector<16xf32>
      %select_n3A_567 = arith.select %gt3A_566, %select_n3A_565, %select_n3A_541 : vector<16xi1>, vector<16xf32>
      %broadcast_in_dim3A_568 = arith.constant 15 : i32
      %broadcast_in_dim3A_569 = vector.broadcast %broadcast_in_dim3A_568 : i32 to vector<16xi32>
      %select_n3A_570 = arith.select %gt3A_566, %broadcast_in_dim3A_569, %select_n3A_544 : vector<16xi1>, vector<16xi32>
      %swap3A_571 = arith.constant 3 : i32
      %swap3A_572 = arith.constant 3 : i32
      %swap3A_573 = arith.index_cast %swap3A_571 : i32 to index
      %swap3A_574 = arith.index_cast %swap3A_572 : i32 to index
      %swap3A_575 = arith.index_cast %mul3A_120 : i32 to index
      %swap3A_576 = tpu.vector_load %arg10[%swap3A_573, %swap3A_574, %swap3A_575] {strides = array<i32>} : memref<6x4x512xf32, #tpu.memory_space<vmem>>, vector<16xf32>,
      tpu.vector_store %arg10[%swap3A_573, %swap3A_574, %swap3A_575], %select_n3A_564 {strides = array<i32>} : memref<6x4x512xf32, #tpu.memory_space<vmem>>, vector<16xf32>,
      %get3A_577 = arith.constant 4 : i32
      %get3A_578 = arith.index_cast %get3A_577 : i32 to index
      %get3A_579 = arith.index_cast %mul3A_120 : i32 to index
      %get3A_580 = tpu.vector_load %arg7[%get3A_578, %get3A_579] {strides = array<i32>} : memref<6x512xi32, #tpu.memory_space<vmem>>, vector<16xi32>,
      %eq3A_581 = arith.constant 1 : i32
      %eq3A_582 = vector.broadcast %eq3A_581 : i32 to vector<16xi32>
      %eq3A_583 = arith.cmpi eq, %get3A_580, %eq3A_582 : vector<16xi32>
      %get3A_584 = arith.constant 4 : i32
      %get3A_585 = arith.index_cast %get3A_584 : i32 to index
      %get3A_586 = arith.index_cast %mul3A_120 : i32 to index
      %get3A_587 = tpu.vector_load %arg9[%get3A_585, %get3A_586] {strides = array<i32>} : memref<6x512xi32, #tpu.memory_space<vmem>>, vector<16xi32>,
      %get3A_588 = arith.constant 4 : i32
      %get3A_589 = arith.constant 0 : i32
      %get3A_590 = arith.index_cast %get3A_588 : i32 to index
      %get3A_591 = arith.index_cast %get3A_589 : i32 to index
      %get3A_592 = arith.index_cast %mul3A_120 : i32 to index
      %get3A_593 = tpu.vector_load %arg16[%get3A_590, %get3A_591, %get3A_592] {strides = array<i32>} : memref<6x8x512xi32, #tpu.memory_space<vmem>>, vector<16xi32>,
      %gather3A_594 = tpu.vector_load_idx %arg13[%get3A_593] : memref<1024xf32, #tpu.memory_space<vmem>>[vector<16xi32>], vector<16xf32>,
      %and3A_595 = arith.constant 1 : i32
      %and3A_596 = vector.broadcast %and3A_595 : i32 to vector<16xi32>
      %and3A_597 = arith.andi %get3A_587, %and3A_596 : vector<16xi32>
      %ne3A_598 = arith.constant 0 : i32
      %ne3A_599 = vector.broadcast %ne3A_598 : i32 to vector<16xi32>
      %ne3A_600 = arith.cmpi ne, %and3A_597, %ne3A_599 : vector<16xi32>
      %select_n3A_601 = arith.select %ne3A_600, %gather3A_594, %broadcast_in_dim3A_110 : vector<16xi1>, vector<16xf32>
      %select_n3A_602 = arith.select %eq3A_583, %select_n3A_601, %broadcast_in_dim3A_112 : vector<16xi1>, vector<16xf32>
      %gt3A_603 = arith.cmpf ogt, %select_n3A_602, %select_n3A_567 : vector<16xf32>
      %select_n3A_604 = arith.select %gt3A_603, %select_n3A_602, %select_n3A_567 : vector<16xi1>, vector<16xf32>
      %broadcast_in_dim3A_605 = arith.constant 16 : i32
      %broadcast_in_dim3A_606 = vector.broadcast %broadcast_in_dim3A_605 : i32 to vector<16xi32>
      %select_n3A_607 = arith.select %gt3A_603, %broadcast_in_dim3A_606, %select_n3A_570 : vector<16xi1>, vector<16xi32>
      %swap3A_608 = arith.constant 4 : i32
      %swap3A_609 = arith.constant 0 : i32
      %swap3A_610 = arith.index_cast %swap3A_608 : i32 to index
      %swap3A_611 = arith.index_cast %swap3A_609 : i32 to index
      %swap3A_612 = arith.index_cast %mul3A_120 : i32 to index
      %swap3A_613 = tpu.vector_load %arg10[%swap3A_610, %swap3A_611, %swap3A_612] {strides = array<i32>} : memref<6x4x512xf32, #tpu.memory_space<vmem>>, vector<16xf32>,
      tpu.vector_store %arg10[%swap3A_610, %swap3A_611, %swap3A_612], %select_n3A_601 {strides = array<i32>} : memref<6x4x512xf32, #tpu.memory_space<vmem>>, vector<16xf32>,
      %get3A_614 = arith.constant 4 : i32
      %get3A_615 = arith.constant 2 : i32
      %get3A_616 = arith.index_cast %get3A_614 : i32 to index
      %get3A_617 = arith.index_cast %get3A_615 : i32 to index
      %get3A_618 = arith.index_cast %mul3A_120 : i32 to index
      %get3A_619 = tpu.vector_load %arg16[%get3A_616, %get3A_617, %get3A_618] {strides = array<i32>} : memref<6x8x512xi32, #tpu.memory_space<vmem>>, vector<16xi32>,
      %gather3A_620 = tpu.vector_load_idx %arg13[%get3A_619] : memref<1024xf32, #tpu.memory_space<vmem>>[vector<16xi32>], vector<16xf32>,
      %and3A_621 = arith.constant 256 : i32
      %and3A_622 = vector.broadcast %and3A_621 : i32 to vector<16xi32>
      %and3A_623 = arith.andi %get3A_587, %and3A_622 : vector<16xi32>
      %ne3A_624 = arith.constant 0 : i32
      %ne3A_625 = vector.broadcast %ne3A_624 : i32 to vector<16xi32>
      %ne3A_626 = arith.cmpi ne, %and3A_623, %ne3A_625 : vector<16xi32>
      %select_n3A_627 = arith.select %ne3A_626, %gather3A_620, %broadcast_in_dim3A_110 : vector<16xi1>, vector<16xf32>
      %select_n3A_628 = arith.select %eq3A_583, %select_n3A_627, %broadcast_in_dim3A_112 : vector<16xi1>, vector<16xf32>
      %gt3A_629 = arith.cmpf ogt, %select_n3A_628, %select_n3A_604 : vector<16xf32>
      %select_n3A_630 = arith.select %gt3A_629, %select_n3A_628, %select_n3A_604 : vector<16xi1>, vector<16xf32>
      %broadcast_in_dim3A_631 = arith.constant 17 : i32
      %broadcast_in_dim3A_632 = vector.broadcast %broadcast_in_dim3A_631 : i32 to vector<16xi32>
      %select_n3A_633 = arith.select %gt3A_629, %broadcast_in_dim3A_632, %select_n3A_607 : vector<16xi1>, vector<16xi32>
      %swap3A_634 = arith.constant 4 : i32
      %swap3A_635 = arith.constant 1 : i32
      %swap3A_636 = arith.index_cast %swap3A_634 : i32 to index
      %swap3A_637 = arith.index_cast %swap3A_635 : i32 to index
      %swap3A_638 = arith.index_cast %mul3A_120 : i32 to index
      %swap3A_639 = tpu.vector_load %arg10[%swap3A_636, %swap3A_637, %swap3A_638] {strides = array<i32>} : memref<6x4x512xf32, #tpu.memory_space<vmem>>, vector<16xf32>,
      tpu.vector_store %arg10[%swap3A_636, %swap3A_637, %swap3A_638], %select_n3A_627 {strides = array<i32>} : memref<6x4x512xf32, #tpu.memory_space<vmem>>, vector<16xf32>,
      %get3A_640 = arith.constant 4 : i32
      %get3A_641 = arith.constant 4 : i32
      %get3A_642 = arith.index_cast %get3A_640 : i32 to index
      %get3A_643 = arith.index_cast %get3A_641 : i32 to index
      %get3A_644 = arith.index_cast %mul3A_120 : i32 to index
      %get3A_645 = tpu.vector_load %arg16[%get3A_642, %get3A_643, %get3A_644] {strides = array<i32>} : memref<6x8x512xi32, #tpu.memory_space<vmem>>, vector<16xi32>,
      %gather3A_646 = tpu.vector_load_idx %arg13[%get3A_645] : memref<1024xf32, #tpu.memory_space<vmem>>[vector<16xi32>], vector<16xf32>,
      %and3A_647 = arith.constant 65536 : i32
      %and3A_648 = vector.broadcast %and3A_647 : i32 to vector<16xi32>
      %and3A_649 = arith.andi %get3A_587, %and3A_648 : vector<16xi32>
      %ne3A_650 = arith.constant 0 : i32
      %ne3A_651 = vector.broadcast %ne3A_650 : i32 to vector<16xi32>
      %ne3A_652 = arith.cmpi ne, %and3A_649, %ne3A_651 : vector<16xi32>
      %select_n3A_653 = arith.select %ne3A_652, %gather3A_646, %broadcast_in_dim3A_110 : vector<16xi1>, vector<16xf32>
      %select_n3A_654 = arith.select %eq3A_583, %select_n3A_653, %broadcast_in_dim3A_112 : vector<16xi1>, vector<16xf32>
      %gt3A_655 = arith.cmpf ogt, %select_n3A_654, %select_n3A_630 : vector<16xf32>
      %select_n3A_656 = arith.select %gt3A_655, %select_n3A_654, %select_n3A_630 : vector<16xi1>, vector<16xf32>
      %broadcast_in_dim3A_657 = arith.constant 18 : i32
      %broadcast_in_dim3A_658 = vector.broadcast %broadcast_in_dim3A_657 : i32 to vector<16xi32>
      %select_n3A_659 = arith.select %gt3A_655, %broadcast_in_dim3A_658, %select_n3A_633 : vector<16xi1>, vector<16xi32>
      %swap3A_660 = arith.constant 4 : i32
      %swap3A_661 = arith.constant 2 : i32
      %swap3A_662 = arith.index_cast %swap3A_660 : i32 to index
      %swap3A_663 = arith.index_cast %swap3A_661 : i32 to index
      %swap3A_664 = arith.index_cast %mul3A_120 : i32 to index
      %swap3A_665 = tpu.vector_load %arg10[%swap3A_662, %swap3A_663, %swap3A_664] {strides = array<i32>} : memref<6x4x512xf32, #tpu.memory_space<vmem>>, vector<16xf32>,
      tpu.vector_store %arg10[%swap3A_662, %swap3A_663, %swap3A_664], %select_n3A_653 {strides = array<i32>} : memref<6x4x512xf32, #tpu.memory_space<vmem>>, vector<16xf32>,
      %get3A_666 = arith.constant 4 : i32
      %get3A_667 = arith.constant 6 : i32
      %get3A_668 = arith.index_cast %get3A_666 : i32 to index
      %get3A_669 = arith.index_cast %get3A_667 : i32 to index
      %get3A_670 = arith.index_cast %mul3A_120 : i32 to index
      %get3A_671 = tpu.vector_load %arg16[%get3A_668, %get3A_669, %get3A_670] {strides = array<i32>} : memref<6x8x512xi32, #tpu.memory_space<vmem>>, vector<16xi32>,
      %gather3A_672 = tpu.vector_load_idx %arg13[%get3A_671] : memref<1024xf32, #tpu.memory_space<vmem>>[vector<16xi32>], vector<16xf32>,
      %and3A_673 = arith.constant 16777216 : i32
      %and3A_674 = vector.broadcast %and3A_673 : i32 to vector<16xi32>
      %and3A_675 = arith.andi %get3A_587, %and3A_674 : vector<16xi32>
      %ne3A_676 = arith.constant 0 : i32
      %ne3A_677 = vector.broadcast %ne3A_676 : i32 to vector<16xi32>
      %ne3A_678 = arith.cmpi ne, %and3A_675, %ne3A_677 : vector<16xi32>
      %select_n3A_679 = arith.select %ne3A_678, %gather3A_672, %broadcast_in_dim3A_110 : vector<16xi1>, vector<16xf32>
      %select_n3A_680 = arith.select %eq3A_583, %select_n3A_679, %broadcast_in_dim3A_112 : vector<16xi1>, vector<16xf32>
      %gt3A_681 = arith.cmpf ogt, %select_n3A_680, %select_n3A_656 : vector<16xf32>
      %select_n3A_682 = arith.select %gt3A_681, %select_n3A_680, %select_n3A_656 : vector<16xi1>, vector<16xf32>
      %broadcast_in_dim3A_683 = arith.constant 19 : i32
      %broadcast_in_dim3A_684 = vector.broadcast %broadcast_in_dim3A_683 : i32 to vector<16xi32>
      %select_n3A_685 = arith.select %gt3A_681, %broadcast_in_dim3A_684, %select_n3A_659 : vector<16xi1>, vector<16xi32>
      %swap3A_686 = arith.constant 4 : i32
      %swap3A_687 = arith.constant 3 : i32
      %swap3A_688 = arith.index_cast %swap3A_686 : i32 to index
      %swap3A_689 = arith.index_cast %swap3A_687 : i32 to index
      %swap3A_690 = arith.index_cast %mul3A_120 : i32 to index
      %swap3A_691 = tpu.vector_load %arg10[%swap3A_688, %swap3A_689, %swap3A_690] {strides = array<i32>} : memref<6x4x512xf32, #tpu.memory_space<vmem>>, vector<16xf32>,
      tpu.vector_store %arg10[%swap3A_688, %swap3A_689, %swap3A_690], %select_n3A_679 {strides = array<i32>} : memref<6x4x512xf32, #tpu.memory_space<vmem>>, vector<16xf32>,
      %get3A_692 = arith.constant 5 : i32
      %get3A_693 = arith.index_cast %get3A_692 : i32 to index
      %get3A_694 = arith.index_cast %mul3A_120 : i32 to index
      %get3A_695 = tpu.vector_load %arg7[%get3A_693, %get3A_694] {strides = array<i32>} : memref<6x512xi32, #tpu.memory_space<vmem>>, vector<16xi32>,
      %eq3A_696 = arith.constant 1 : i32
      %eq3A_697 = vector.broadcast %eq3A_696 : i32 to vector<16xi32>
      %eq3A_698 = arith.cmpi eq, %get3A_695, %eq3A_697 : vector<16xi32>
      %get3A_699 = arith.constant 5 : i32
      %get3A_700 = arith.index_cast %get3A_699 : i32 to index
      %get3A_701 = arith.index_cast %mul3A_120 : i32 to index
      %get3A_702 = tpu.vector_load %arg9[%get3A_700, %get3A_701] {strides = array<i32>} : memref<6x512xi32, #tpu.memory_space<vmem>>, vector<16xi32>,
      %get3A_703 = arith.constant 5 : i32
      %get3A_704 = arith.constant 0 : i32
      %get3A_705 = arith.index_cast %get3A_703 : i32 to index
      %get3A_706 = arith.index_cast %get3A_704 : i32 to index
      %get3A_707 = arith.index_cast %mul3A_120 : i32 to index
      %get3A_708 = tpu.vector_load %arg16[%get3A_705, %get3A_706, %get3A_707] {strides = array<i32>} : memref<6x8x512xi32, #tpu.memory_space<vmem>>, vector<16xi32>,
      %gather3A_709 = tpu.vector_load_idx %arg13[%get3A_708] : memref<1024xf32, #tpu.memory_space<vmem>>[vector<16xi32>], vector<16xf32>,
      %and3A_710 = arith.constant 1 : i32
      %and3A_711 = vector.broadcast %and3A_710 : i32 to vector<16xi32>
      %and3A_712 = arith.andi %get3A_702, %and3A_711 : vector<16xi32>
      %ne3A_713 = arith.constant 0 : i32
      %ne3A_714 = vector.broadcast %ne3A_713 : i32 to vector<16xi32>
      %ne3A_715 = arith.cmpi ne, %and3A_712, %ne3A_714 : vector<16xi32>
      %select_n3A_716 = arith.select %ne3A_715, %gather3A_709, %broadcast_in_dim3A_110 : vector<16xi1>, vector<16xf32>
      %select_n3A_717 = arith.select %eq3A_698, %select_n3A_716, %broadcast_in_dim3A_112 : vector<16xi1>, vector<16xf32>
      %gt3A_718 = arith.cmpf ogt, %select_n3A_717, %select_n3A_682 : vector<16xf32>
      %select_n3A_719 = arith.select %gt3A_718, %select_n3A_717, %select_n3A_682 : vector<16xi1>, vector<16xf32>
      %broadcast_in_dim3A_720 = arith.constant 20 : i32
      %broadcast_in_dim3A_721 = vector.broadcast %broadcast_in_dim3A_720 : i32 to vector<16xi32>
      %select_n3A_722 = arith.select %gt3A_718, %broadcast_in_dim3A_721, %select_n3A_685 : vector<16xi1>, vector<16xi32>
      %swap3A_723 = arith.constant 5 : i32
      %swap3A_724 = arith.constant 0 : i32
      %swap3A_725 = arith.index_cast %swap3A_723 : i32 to index
      %swap3A_726 = arith.index_cast %swap3A_724 : i32 to index
      %swap3A_727 = arith.index_cast %mul3A_120 : i32 to index
      %swap3A_728 = tpu.vector_load %arg10[%swap3A_725, %swap3A_726, %swap3A_727] {strides = array<i32>} : memref<6x4x512xf32, #tpu.memory_space<vmem>>, vector<16xf32>,
      tpu.vector_store %arg10[%swap3A_725, %swap3A_726, %swap3A_727], %select_n3A_716 {strides = array<i32>} : memref<6x4x512xf32, #tpu.memory_space<vmem>>, vector<16xf32>,
      %get3A_729 = arith.constant 5 : i32
      %get3A_730 = arith.constant 2 : i32
      %get3A_731 = arith.index_cast %get3A_729 : i32 to index
      %get3A_732 = arith.index_cast %get3A_730 : i32 to index
      %get3A_733 = arith.index_cast %mul3A_120 : i32 to index
      %get3A_734 = tpu.vector_load %arg16[%get3A_731, %get3A_732, %get3A_733] {strides = array<i32>} : memref<6x8x512xi32, #tpu.memory_space<vmem>>, vector<16xi32>,
      %gather3A_735 = tpu.vector_load_idx %arg13[%get3A_734] : memref<1024xf32, #tpu.memory_space<vmem>>[vector<16xi32>], vector<16xf32>,
      %and3A_736 = arith.constant 256 : i32
      %and3A_737 = vector.broadcast %and3A_736 : i32 to vector<16xi32>
      %and3A_738 = arith.andi %get3A_702, %and3A_737 : vector<16xi32>
      %ne3A_739 = arith.constant 0 : i32
      %ne3A_740 = vector.broadcast %ne3A_739 : i32 to vector<16xi32>
      %ne3A_741 = arith.cmpi ne, %and3A_738, %ne3A_740 : vector<16xi32>
      %select_n3A_742 = arith.select %ne3A_741, %gather3A_735, %broadcast_in_dim3A_110 : vector<16xi1>, vector<16xf32>
      %select_n3A_743 = arith.select %eq3A_698, %select_n3A_742, %broadcast_in_dim3A_112 : vector<16xi1>, vector<16xf32>
      %gt3A_744 = arith.cmpf ogt, %select_n3A_743, %select_n3A_719 : vector<16xf32>
      %select_n3A_745 = arith.select %gt3A_744, %select_n3A_743, %select_n3A_719 : vector<16xi1>, vector<16xf32>
      %broadcast_in_dim3A_746 = arith.constant 21 : i32
      %broadcast_in_dim3A_747 = vector.broadcast %broadcast_in_dim3A_746 : i32 to vector<16xi32>
      %select_n3A_748 = arith.select %gt3A_744, %broadcast_in_dim3A_747, %select_n3A_722 : vector<16xi1>, vector<16xi32>
      %swap3A_749 = arith.constant 5 : i32
      %swap3A_750 = arith.constant 1 : i32
      %swap3A_751 = arith.index_cast %swap3A_749 : i32 to index
      %swap3A_752 = arith.index_cast %swap3A_750 : i32 to index
      %swap3A_753 = arith.index_cast %mul3A_120 : i32 to index
      %swap3A_754 = tpu.vector_load %arg10[%swap3A_751, %swap3A_752, %swap3A_753] {strides = array<i32>} : memref<6x4x512xf32, #tpu.memory_space<vmem>>, vector<16xf32>,
      tpu.vector_store %arg10[%swap3A_751, %swap3A_752, %swap3A_753], %select_n3A_742 {strides = array<i32>} : memref<6x4x512xf32, #tpu.memory_space<vmem>>, vector<16xf32>,
      %get3A_755 = arith.constant 5 : i32
      %get3A_756 = arith.constant 4 : i32
      %get3A_757 = arith.index_cast %get3A_755 : i32 to index
      %get3A_758 = arith.index_cast %get3A_756 : i32 to index
      %get3A_759 = arith.index_cast %mul3A_120 : i32 to index
      %get3A_760 = tpu.vector_load %arg16[%get3A_757, %get3A_758, %get3A_759] {strides = array<i32>} : memref<6x8x512xi32, #tpu.memory_space<vmem>>, vector<16xi32>,
      %gather3A_761 = tpu.vector_load_idx %arg13[%get3A_760] : memref<1024xf32, #tpu.memory_space<vmem>>[vector<16xi32>], vector<16xf32>,
      %and3A_762 = arith.constant 65536 : i32
      %and3A_763 = vector.broadcast %and3A_762 : i32 to vector<16xi32>
      %and3A_764 = arith.andi %get3A_702, %and3A_763 : vector<16xi32>
      %ne3A_765 = arith.constant 0 : i32
      %ne3A_766 = vector.broadcast %ne3A_765 : i32 to vector<16xi32>
      %ne3A_767 = arith.cmpi ne, %and3A_764, %ne3A_766 : vector<16xi32>
      %select_n3A_768 = arith.select %ne3A_767, %gather3A_761, %broadcast_in_dim3A_110 : vector<16xi1>, vector<16xf32>
      %select_n3A_769 = arith.select %eq3A_698, %select_n3A_768, %broadcast_in_dim3A_112 : vector<16xi1>, vector<16xf32>
      %gt3A_770 = arith.cmpf ogt, %select_n3A_769, %select_n3A_745 : vector<16xf32>
      %select_n3A_771 = arith.select %gt3A_770, %select_n3A_769, %select_n3A_745 : vector<16xi1>, vector<16xf32>
      %broadcast_in_dim3A_772 = arith.constant 22 : i32
      %broadcast_in_dim3A_773 = vector.broadcast %broadcast_in_dim3A_772 : i32 to vector<16xi32>
      %select_n3A_774 = arith.select %gt3A_770, %broadcast_in_dim3A_773, %select_n3A_748 : vector<16xi1>, vector<16xi32>
      %swap3A_775 = arith.constant 5 : i32
      %swap3A_776 = arith.constant 2 : i32
      %swap3A_777 = arith.index_cast %swap3A_775 : i32 to index
      %swap3A_778 = arith.index_cast %swap3A_776 : i32 to index
      %swap3A_779 = arith.index_cast %mul3A_120 : i32 to index
      %swap3A_780 = tpu.vector_load %arg10[%swap3A_777, %swap3A_778, %swap3A_779] {strides = array<i32>} : memref<6x4x512xf32, #tpu.memory_space<vmem>>, vector<16xf32>,
      tpu.vector_store %arg10[%swap3A_777, %swap3A_778, %swap3A_779], %select_n3A_768 {strides = array<i32>} : memref<6x4x512xf32, #tpu.memory_space<vmem>>, vector<16xf32>,
      %get3A_781 = arith.constant 5 : i32
      %get3A_782 = arith.constant 6 : i32
      %get3A_783 = arith.index_cast %get3A_781 : i32 to index
      %get3A_784 = arith.index_cast %get3A_782 : i32 to index
      %get3A_785 = arith.index_cast %mul3A_120 : i32 to index
      %get3A_786 = tpu.vector_load %arg16[%get3A_783, %get3A_784, %get3A_785] {strides = array<i32>} : memref<6x8x512xi32, #tpu.memory_space<vmem>>, vector<16xi32>,
      %gather3A_787 = tpu.vector_load_idx %arg13[%get3A_786] : memref<1024xf32, #tpu.memory_space<vmem>>[vector<16xi32>], vector<16xf32>,
      %and3A_788 = arith.constant 16777216 : i32
      %and3A_789 = vector.broadcast %and3A_788 : i32 to vector<16xi32>
      %and3A_790 = arith.andi %get3A_702, %and3A_789 : vector<16xi32>
      %ne3A_791 = arith.constant 0 : i32
      %ne3A_792 = vector.broadcast %ne3A_791 : i32 to vector<16xi32>
      %ne3A_793 = arith.cmpi ne, %and3A_790, %ne3A_792 : vector<16xi32>
      %select_n3A_794 = arith.select %ne3A_793, %gather3A_787, %broadcast_in_dim3A_110 : vector<16xi1>, vector<16xf32>
      %select_n3A_795 = arith.select %eq3A_698, %select_n3A_794, %broadcast_in_dim3A_112 : vector<16xi1>, vector<16xf32>
      %gt3A_796 = arith.cmpf ogt, %select_n3A_795, %select_n3A_771 : vector<16xf32>
      %select_n3A_797 = arith.select %gt3A_796, %select_n3A_795, %select_n3A_771 : vector<16xi1>, vector<16xf32>
      %broadcast_in_dim3A_798 = arith.constant 23 : i32
      %broadcast_in_dim3A_799 = vector.broadcast %broadcast_in_dim3A_798 : i32 to vector<16xi32>
      %select_n3A_800 = arith.select %gt3A_796, %broadcast_in_dim3A_799, %select_n3A_774 : vector<16xi1>, vector<16xi32>
      %swap3A_801 = arith.constant 5 : i32
      %swap3A_802 = arith.constant 3 : i32
      %swap3A_803 = arith.index_cast %swap3A_801 : i32 to index
      %swap3A_804 = arith.index_cast %swap3A_802 : i32 to index
      %swap3A_805 = arith.index_cast %mul3A_120 : i32 to index
      %swap3A_806 = tpu.vector_load %arg10[%swap3A_803, %swap3A_804, %swap3A_805] {strides = array<i32>} : memref<6x4x512xf32, #tpu.memory_space<vmem>>, vector<16xf32>,
      tpu.vector_store %arg10[%swap3A_803, %swap3A_804, %swap3A_805], %select_n3A_794 {strides = array<i32>} : memref<6x4x512xf32, #tpu.memory_space<vmem>>, vector<16xf32>,
      %swap3A_807 = arith.index_cast %mul3A_120 : i32 to index
      %swap3A_808 = tpu.vector_load %arg8[%swap3A_807] {strides = array<i32>} : memref<512xi32, #tpu.memory_space<vmem>>, vector<16xi32>,
      tpu.vector_store %arg8[%swap3A_807], %select_n3A_800 {strides = array<i32>} : memref<512xi32, #tpu.memory_space<vmem>>, vector<16xi32>,
    }
    %scan3A_117 = arith.constant 32 : i32
    "tpu.region"() ({
      %run_scoped3A = tpu.sem_alloc : memref<!tpu.dma_semaphore, #tpu.memory_space<semaphore_mem>>
      %dma_start3A_118 = arith.constant 0 : i32
      %dma_start3A_119 = arith.constant 0 : i32
      %dma_start3A_120 = tpu.memref_slice %arg5[%dma_start3A_118, %dma_start3A_119, %mul3A_2] : memref<6x4x16384xf32, #tpu.memory_space<hbm>> -> memref<6x4x512xf32, #tpu.memory_space<hbm>>
      %dma_start3A_121 = arith.constant 0 : i32
      %dma_start3A_122 = arith.constant 0 : i32
      %dma_start3A_123 = tpu.memref_slice %arg5[%dma_start3A_121, %dma_start3A_122, %mul3A_2] : memref<6x4x16384xf32, #tpu.memory_space<hbm>> -> memref<6x4x512xf32, #tpu.memory_space<hbm>>
      tpu.enqueue_dma source(%arg10 : memref<6x4x512xf32, #tpu.memory_space<vmem>>) target(%dma_start3A_123 : memref<6x4x512xf32, #tpu.memory_space<hbm>>) target_semaphore(%run_scoped3A : memref<!tpu.dma_semaphore, #tpu.memory_space<semaphore_mem>>)
      %dma_wait3A_124 = arith.constant 0 : i32
      %dma_wait3A_125 = arith.constant 0 : i32
      %dma_wait3A_126 = tpu.memref_slice %arg5[%dma_wait3A_124, %dma_wait3A_125, %mul3A_2] : memref<6x4x16384xf32, #tpu.memory_space<hbm>> -> memref<6x4x512xf32, #tpu.memory_space<hbm>>
      %dma_wait3A_127 = arith.constant 0 : i32
      %dma_wait3A_128 = arith.constant 0 : i32
      %dma_wait3A_129 = tpu.memref_slice %arg5[%dma_wait3A_127, %dma_wait3A_128, %mul3A_2] : memref<6x4x16384xf32, #tpu.memory_space<hbm>> -> memref<6x4x512xf32, #tpu.memory_space<hbm>>
      tpu.wait_dma2 semaphore(%run_scoped3A : memref<!tpu.dma_semaphore, #tpu.memory_space<semaphore_mem>>) src(%arg10 : memref<6x4x512xf32, #tpu.memory_space<vmem>>) dst(%dma_wait3A_129 : memref<6x4x512xf32, #tpu.memory_space<hbm>>)
      tpu.yield
    }) : () -> ()
    "tpu.region"() ({
      %run_scoped3A = tpu.sem_alloc : memref<!tpu.dma_semaphore, #tpu.memory_space<semaphore_mem>>
      %dma_start3A_118 = tpu.memref_slice %arg6[%mul3A_2] : memref<16384xi32, #tpu.memory_space<hbm>> -> memref<512xi32, #tpu.memory_space<hbm>>
      %dma_start3A_119 = tpu.memref_slice %arg6[%mul3A_2] : memref<16384xi32, #tpu.memory_space<hbm>> -> memref<512xi32, #tpu.memory_space<hbm>>
      tpu.enqueue_dma source(%arg8 : memref<512xi32, #tpu.memory_space<vmem>>) target(%dma_start3A_119 : memref<512xi32, #tpu.memory_space<hbm>>) target_semaphore(%run_scoped3A : memref<!tpu.dma_semaphore, #tpu.memory_space<semaphore_mem>>)
      %dma_wait3A_120 = tpu.memref_slice %arg6[%mul3A_2] : memref<16384xi32, #tpu.memory_space<hbm>> -> memref<512xi32, #tpu.memory_space<hbm>>
      %dma_wait3A_121 = tpu.memref_slice %arg6[%mul3A_2] : memref<16384xi32, #tpu.memory_space<hbm>> -> memref<512xi32, #tpu.memory_space<hbm>>
      tpu.wait_dma2 semaphore(%run_scoped3A : memref<!tpu.dma_semaphore, #tpu.memory_space<semaphore_mem>>) src(%arg8 : memref<512xi32, #tpu.memory_space<vmem>>) dst(%dma_wait3A_121 : memref<512xi32, #tpu.memory_space<hbm>>)
      tpu.yield
    }) : () -> ()
    return
  }
}

</mosaic_0001>

<sc_bundles>
// kernel: kernel.3.cloned.1.call-start
scs
__scs_entry_jumppad:
0x0: {  	(pc) =	sbr.rel $0x88, $3  }
0x1: {  	(tag) =	ssettag $0x0;
	lr =	simm.s32 $0x1  }
0x2: {  	[smem:$0x3F9E] =	sst lr;
	_ =	strace $0xD0000000  }
0x3: {  	_ = 	snop  }
0x4: {  	_ = 	snop  }
0x5: {  	_ = 	snop  }
0x6: {  	_ = 	snop  }
0x7: {  	_ = 	snop  }
__scs_overlays_trampoline_lowered:
0x8: {  	[smem:$0x3FAD] =	sst s0  }
0x9: {  	[smem:$0x3FAE] =	sst s1  }
0xa: {  	[smem:$0x3FAF] =	sst s2  }
0xb: {  	[smem:$0x3FB0] =	sst s3  }
0xc: {  	[smem:$0x3FB1] =	sst s4  }
0xd: {  	[smem:$0x3FB2] =	sst s5  }
0xe: {  	[smem:$0x3FB3] =	sst s6  }
0xf: {  	[smem:$0x3FB4] =	sst s7  }
0x10: {  	[smem:$0x3FB5] =	sst s8  }
0x11: {  	[smem:$0x3FB6] =	sst s9;
	s0 =	simm.s32 @!p0 $0x0  }
0x12: {  	s1 =	sld [smem:$0x3F9C];
	s0 =	simm.s32 @p0 $0x1  }
0x13: {  	[smem:$0x3FB7] =	sst s0;
	s0 =	simm.s32 @!p1 $0x0  }
0x14: {  	s2 =	sld [smem:$0x3F9B];
	s0 =	simm.s32 @p1 $0x1  }
0x15: {  	[smem:$0x3FB8] =	sst s0;
	s0 =	simm.s32 @!p2 $0x0  }
0x16: {  	s3 =	sld [smem:$0x3FDB];
	s0 =	simm.s32 @p2 $0x1  }
0x17: {  	s4 =	simm.s32 $0x1BF5;
	[smem:$0x3FBA] =	sst s0  }
0x18: {  	s0 =	sld [smem:$0x3F9D];
	_ =	swait.ge [sflag:s4], $0x0  }
0x19: {  	s7 =	sld [smem:$0x3F9E]  }
0x1a: {  	s8 =	sadd.s32 $0xFFFFE003, lr  }
0x1b: {  	s9 =	sadd.s32 $0xFFFFFEF7, lr;
	s5 =	simm.s32 $0xFFFFFFFF;
	p2 =	slt.u32 s8, $0xFFFFF086  }
0x1c: {  	p1 =	slt.u32 s9, $0xF7A;
	s5 =	simm.s32 @!p2 $0x0  }
0x1d: {  	s5 =	simm.s32 @p1 $0x1;
	p0 =	seq.s32 s7, s2  }
0x1e: {  	s7 =	smul.u32 @!p0 $0xF7A, s2;
	p2 =	seq.s32 @!p0 s5, $0x0  }
0x1f: {  	s9 =	smul.u32 $0xF7A, s1;
	s8 =	simm.s32 @!p0 $0x1BF5;
	p2 =	por !p2, p0  }
0x20: {  	[sflag:s8] =	ssyncset.s32 @!p0 $0xFFFFF086;
	s6 =	sadd.s32 @!p0 s3, s7;
	s7 =	simm.s32 @!p0 $0x108  }
0x21: {  	s3 =	sadd.s32 s3, s9;
	s6 =	sadd.s32 @!p0 $0x88, s6;
	s7 =	simm.s32 @p2 $0x1082  }
0x22: {  	[simem:s7], [sflag:s8] =	dma.local @!p0 [hbm:s6], $0xF7A  }
0x23: {  	s9 =	sor.u32 $0xD0000000, s2;
	s6 =	simm.s32 $0x108;
	_ =	swait.ge @!p0 [sflag:s8], $0x0  }
0x24: {  	s3 =	sadd.s32 $0x88, s3;
	s6 =	simm.s32 @!p1 $0x1082;
	[sflag:s4] =	ssyncset.s32 $0xFFFFF086  }
0x25: {  	[simem:s6], [sflag:s4] =	dma.local [hbm:s3], $0xF7A  }
0x26: {  	[smem:$0x3F9E] =	sst s1;
	(tag) =	ssettag s2;
	_ =	strace s9  }
0x27: {  	s1 =	sld [smem:$0x3FAE]  }
0x28: {  	s2 =	sld [smem:$0x3FAF]  }
0x29: {  	s4 =	sld [smem:$0x3FB1]  }
0x2a: {  	p0 =	seq.s32 s5, $0x0;
	s5 =	sld [smem:$0x3FB2]  }
0x2b: {  	s6 =	sld [smem:$0x3FB3]  }
0x2c: {  	s7 =	sld [smem:$0x3FB4]  }
0x2d: {  	s3 =	simm.s32 $0x108;
	s8 =	sld [smem:$0x3FB5]  }
0x2e: {  	s3 =	simm.s32 @!p0 $0x1082;
	s9 =	sld [smem:$0x3FB6]  }
0x2f: {  	lr =	sadd.s32 s0, s3;
	s0 =	sld [smem:$0x3FAD]  }
0x30: {  	s3 =	sld [smem:$0x3FB0]  }
0x31: {  	[smem:$0x3FB9] =	sst s10  }
0x32: {  	s10 =	sld [smem:$0x3FB7];
	_ =	sdelay $0x3  }
0x33: {  	p0 =	seq.s32 s10, $0x1;
	s10 =	sld [smem:$0x3FB9];
	_ =	sdelay $0x3  }
0x34: {  	[smem:$0x3FB9] =	sst s10  }
0x35: {  	s10 =	sld [smem:$0x3FB8];
	_ =	sdelay $0x3  }
0x36: {  	p1 =	seq.s32 s10, $0x1;
	s10 =	sld [smem:$0x3FB9];
	_ =	sdelay $0x3  }
0x37: {  	[smem:$0x3FB9] =	sst s10  }
0x38: {  	s10 =	sld [smem:$0x3FBA]  }
0x39: {  	_ = 	snop;
	(pc) =	sbr.ind lr, $3  }
0x3a: {  	_ = 	snop  }
0x3b: {  	_ = 	snop  }
0x3c: {  	p2 =	seq.s32 s10, $0x1;
	s10 =	sld [smem:$0x3FB9]  }
0x3d: {  	_ =	shalt  }
0x3e: {  	_ =	shalt  }
0x3f: {  	_ =	shalt  }
0x40: {  	_ =	shalt  }
0x41: {  	_ =	shalt  }
0x42: {  	_ =	shalt  }
0x43: {  	_ =	shalt  }
0x44: {  	_ =	shalt  }
0x45: {  	_ =	shalt  }
0x46: {  	_ =	shalt  }
0x47: {  	_ =	shalt  }
0x48: {  	_ =	shalt  }
0x49: {  	_ =	shalt  }
0x4a: {  	_ =	shalt  }
0x4b: {  	_ =	shalt  }
0x4c: {  	_ =	shalt  }
0x4d: {  	_ =	shalt  }
0x4e: {  	_ =	shalt  }
0x4f: {  	_ =	shalt  }
0x50: {  	_ =	shalt  }
0x51: {  	_ =	shalt  }
0x52: {  	_ =	shalt  }
0x53: {  	_ =	shalt  }
0x54: {  	_ =	shalt  }
0x55: {  	_ =	shalt  }
0x56: {  	_ =	shalt  }
0x57: {  	_ =	shalt  }
0x58: {  	_ =	shalt  }
0x59: {  	_ =	shalt  }
0x5a: {  	_ =	shalt  }
0x5b: {  	_ =	shalt  }
0x5c: {  	_ =	shalt  }
0x5d: {  	_ =	shalt  }
0x5e: {  	_ =	shalt  }
0x5f: {  	_ =	shalt  }
0x60: {  	_ =	shalt  }
0x61: {  	_ =	shalt  }
0x62: {  	_ =	shalt  }
0x63: {  	_ =	shalt  }
0x64: {  	_ =	shalt  }
0x65: {  	_ =	shalt  }
0x66: {  	_ =	shalt  }
0x67: {  	_ =	shalt  }
0x68: {  	_ =	shalt  }
0x69: {  	_ =	shalt  }
0x6a: {  	_ =	shalt  }
0x6b: {  	_ =	shalt  }
0x6c: {  	_ =	shalt  }
0x6d: {  	_ =	shalt  }
0x6e: {  	_ =	shalt  }
0x6f: {  	_ =	shalt  }
0x70: {  	_ =	shalt  }
0x71: {  	_ =	shalt  }
0x72: {  	_ =	shalt  }
0x73: {  	_ =	shalt  }
0x74: {  	_ =	shalt  }
0x75: {  	_ =	shalt  }
0x76: {  	_ =	shalt  }
0x77: {  	_ =	shalt  }
0x78: {  	_ =	shalt  }
0x79: {  	_ =	shalt  }
0x7a: {  	_ =	shalt  }
0x7b: {  	_ =	shalt  }
0x7c: {  	_ =	shalt  }
0x7d: {  	_ =	shalt  }
0x7e: {  	_ =	shalt  }
0x7f: {  	_ =	shalt  }
0x80: {  	_ =	shalt  }
0x81: {  	_ =	shalt  }
0x82: {  	_ =	shalt  }
0x83: {  	_ =	shalt  }
0x84: {  	_ =	shalt  }
0x85: {  	_ =	shalt  }
0x86: {  	_ =	shalt  }
0x87: {  	_ =	shalt  }
.Lfunc_end0:
.L_simem_size_0:
called_computation_lowered:
.L_overlay_start_0:
0x88: {  	s2 =	sld [smem:$0x3FD9]  }
0x89: {  	s3 =	sld [smem:$0x3FFE];
	_ =	sdelay $0x1  }
0x8a: {  	s1 =	srdreg.scid  }
0x8b: {  	s0 =	sand.u32 $0x1, s1  }
0x8c: {  	s14 =	sshll.u32 s0, $0xA;
	s2 =	sadd.s32 s3, s2  }
0x8d: {  	s2 =	sadd.s32 s2, s14  }
0x8e: {  	[smem:$0x3FC5] =	sst s2  }
0x8f: {  	_ = 	snop  }
0x90: {  	s2 =	sld [smem:$0x3FD0];
	_ =	sdelay $0x1  }
0x91: {  	s15 =	sld [smem:$0x3FC9]  }
0x92: {  	s5 =	simm.s32 $0xA;
	s6 =	simm.s32 $0x10;
	s4 =	sld [smem:$0x3FC7]  }
0x93: {  	[smem:s6], [sflag:s5] =	dma.local [hbm:s2], $0x1  }
0x94: {  	_ =	swait.eq [sflag:s5], $0x1  }
0x95: {  	[sflag:s5] =	ssyncset.done $0x0  }
0x96: {  	s16 =	sld [smem:$0x10];
	[sflag:s5] =	ssyncadd.s32 $0xFFFFFFFF  }
0x97: {  	s17 =	sld [smem:$0x11];
	(tm) =	ssettm $0x1  }
0x98: {  	s18 =	sld [smem:$0x3FFB];
	_ =	sdelay $0x3  }
0x99: {  	_ =	strace s18  }
0x9a: {  	s6 =	sld [smem:$0x3FFC];
	_ =	sdelay $0x3  }
0x9b: {  	_ =	strace s6  }
0x9c: {  	s6 =	sld [smem:$0x3FFD];
	_ =	sdelay $0x3  }
0x9d: {  	_ =	strace s6  }
0x9e: {  	_ =	strace $0x8FFFFFFF  }
0x9f: {  	s19 =	sld [smem:$0x3FDB];
	_ =	sdelay $0x1  }
0xa0: {  	s7 =	simm.s32 $_scs_section_size  }
0xa1: {  	s8 =	simm.s32 $_size__tile_overlayer_lowered;
	s9 =	simm.s32 $_tile_overlayer_lowered  }
0xa2: {  	s22 =	simm.s32 $0x1BFF;
	s21 =	sshll.u32 s9, $0x1;
	s6 =	sadd.s32 s7, s19  }
0xa3: {  	s10 =	simm.s32 $0x0;
	s20 =	sshll.u32 s8, $0x1;
	s8 =	sadd.s32 s21, s6  }
0xa4: {  	[timem:s10], [sflag:s22] =	dma.local [hbm:s8], s20  }
0xa5: {  	_ =	swait.ge [sflag:s22], s20  }
0xa6: {  	s7 =	ssub.s32 $0x0, s20;
	[sflag:s22] =	ssyncset.done $0x0  }
0xa7: {  	[sflag:s22] =	ssyncadd.s32 s7;
	_ =	sdelay $0x1  }
0xa8: {  	s23 =	simm.s32 $0x1B8B  }
0xa9: {  	_ =	swait.ge [sflag:s23], $0x1  }
0xaa: {  	[sflag:s23] =	ssyncset.done $0x0  }
0xab: {  	s25 =	simm.s32 $0x1B8E;
	s24 =	sld [smem:$0x3FFE];
	[sflag:s23] =	ssyncadd.s32 $0xFFFFFFFF  }
0xac: {  	s26 =	simm.s32 $execute0_lowered;
	[smem:$0x3FD2] =	sst s25  }
0xad: {  	s8 =	sshll.u32 s26, $0x1;
	_ =	strace $0x80000046;
	[dreg:$0x1] =	wrdreg $0xFFFFFFFF  }
0xae: {  	s28 =	simm.s32 $_size_execute0_lowered;
	s6 =	sadd.s32 s6, s8;
	[dreg:$0x0] =	wrdreg $0x0  }
0xaf: {  	s8 =	sshll.u32 s28, $0x1;
	[dreg:$0x2] =	wrdreg s6  }
0xb0: {  	[dreg:$0x3] =	wrdreg s8  }
0xb1: {  	[dreg:$0x4] =	wrdreg $0xC0  }
0xb2: {  	_ =	task [dreg:s10], $0x5FFFF  }
0xb3: {  	[dreg:$0x1] =	wrdreg $0xFFFFFFFF  }
0xb4: {  	[dreg:$0x0] =	wrdreg $0x60  }
0xb5: {  	[dreg:$0x2] =	wrdreg s15  }
0xb6: {  	[dreg:$0x3] =	wrdreg s24  }
0xb7: {  	[dreg:$0x4] =	wrdreg s4  }
0xb8: {  	[dreg:$0x5] =	wrdreg s16  }
0xb9: {  	[dreg:$0x6] =	wrdreg s17  }
0xba: {  	[dreg:$0x7] =	wrdreg $0x76800  }
0xbb: {  	[dreg:$0x8] =	wrdreg $0x9  }
0xbc: {  	_ =	task.clear_ibuf [dreg:s10], $0x9FFFF;
	_ =	strace $0x90000046  }
0xbd: {  	s29 =	simm.s32 $0x9;
	_ =	strace $0x80000048  }
0xbe: {  	_ =	swait.ge [sflag:s29], $0x1  }
0xbf: {  	[sflag:s29] =	ssyncadd.s32 $0xFFFFFFFF  }
0xc0: {  	_ =	strace $0x90000048  }
0xc1: {  	_ =	sfence  }
0xc2: {  	s30 =	sld [smem:$0x0];
	_ =	sdelay $0x2  }
0xc3: {  	s31 =	sshll.u32 s1, $0xD;
	s1 =	sshrl.u32 s1, $0x2  }
0xc4: {  	s3 =	sand.u32 $0x4000, s31;
	s1 =	sadd.s32 s1, s30  }
0xc5: {  	s0 =	sor.u32 s3, s0;
	s1 =	sshll.u32 s1, $0x11  }
0xc6: {  	s0 =	sor.u32 s1, s0  }
0xc7: {  	s0 =	sadd.s32 $0x8F2B, s0  }
0xc8: {  	[sflag:s0] =	ssyncadd.remote.s32 $0x1  }
0xc9: {  	_ =	sfence.sel $0xFFFF  }
0xca: {  	[dreg:$0x0] =	wrdreg $0xFFFFFFFF;
	(pc) =	sbr.abs _section_cstart, $3  }
0xcb: {  	[dreg:$0x1] =	wrdreg $0xFFFFFFFF  }
0xcc: {  	_ =	task.clear_ibuf [dreg:s10], $0x2FFFF;
	_ =	strace $0x9FFFFFFF  }
0xcd: {  	(tm) =	ssettm $0x7FFFFFFF  }
tec
execute0_lowered:
.L_overlay_start_1:
0x0: {  	(tag) =	ssettag $0x1  }
0x1: {  	s0 =	rddreg [dreg:$0x0]  }
0x2: {  	s1 =	rddreg [dreg:$0x1]  }
0x3: {  	s2 =	rddreg [dreg:$0x2]  }
0x4: {  	s9 =	rddreg [dreg:$0x3]  }
0x5: {  	s10 =	rddreg [dreg:$0x4]  }
0x6: {  	s13 =	rddreg [dreg:$0x5];
	s3 =	simm.s32 $0x0;
	s7 =	stileid.u32  }
0x7: {  	s4 =	srdreg.scid;
	s15 =	simm.s32 $0x40000;
	s8 =	sshll.u32 s7, $0x6  }
0x8: {  	s17 =	simm.s32 $0x80;
	s19 =	simm.s32 $0x800;
	s21 =	sor.u32 $0x1, s8  }
0x9: {  	s28 =	simm.s32 $0x10000;
	s29 =	simm.s32 $0x2200;
	s23 =	smin.u32 s21, $0x3A8  }
0xa: {  	v0 =	vlaneseq.u32;
	s30 =	simm.s32 $0x1000;
	s31 =	simm.s32 $0x0;
	s24 =	ssub.s32 s21, s23  }
0xb: {  	[smem:$0x7FF] =	sst s3;
	s4 =	sand.u32 $0x1, s4;
	s5 =	sshll.u32 s7, $0xA;
	v0 =	vmul.u32 $0x80, v0;
	v1 =	vmov s24  }
0xc: {  	_ =	strace $0x80000047;
	s6 =	sshll.u32 s4, $0x9;
	s4 =	ssub.s32 $0x2, s4;
	v1 =	vshll.u32 v1, $0x7  }
0xd: {  	s8 =	sadd.s32 s8, s13;
	s11 =	sor.u32 s6, s5;
	s22 =	sshrl.u32 s4, $0x1;
	v2 =	vadd.s32 v0, v1  }
0xe: {  	s1 =	sadd.s32 s11, s1;
	s12 =	ssub.s32 s4, s22;
	s0 =	sadd.s32 s11, s0;
	v2 =	vor.u32 $0x3, v2  }
0xf: {  	v3 =	vor.u32 $0x1800, v0;
	v4 =	vor.u32 $0x800, v0;
	s7 =	sshll.u32 s23, $0x4;
	s25 =	sshrl.u32 s11, $0x1;
	s26 =	sshrl.u32 s11, $0x3;
	vm0 =	vlt.s32 v2, $0x1FFF  }
0x10: {  	v5 =	vor.u32 $0x1000, v0;
	s22 =	simm.s32 $0x5200;
	s23 =	simm.s32 $0x2;
	s4 =	sadd.s32 $0x4000, s0;
	v0 =	vnsel vm0, $0x1FFF, v2;
	v2 =	vadd.s32 v4, v1  }
0x11: {  	s5 =	sadd.s32 $0x10, s0;
	s6 =	sadd.s32 $0x400, s1;
	s7 =	sadd.s32 s2, s7;
	v4 =	vadd.s32 v5, v1;
	v1 =	vadd.s32 v3, v1;
	v2 =	vor.u32 $0x3, v2  }
0x12: {  	s9 =	sadd.s32 s9, s25;
	s10 =	sadd.s32 s10, s26;
	s11 =	smax.u32 s12, $0x1;
	v3 =	vor.u32 $0x3, v4;
	v4 =	vor.u32 $0x3, v1;
	vm14 =	vlt.s32 v2, $0x1FFF  }
0x13: {  	s12 =	sadd.s32 $0x90, s0;
	s13 =	sadd.s32 $0x110, s0;
	s14 =	sadd.s32 $0x190, s0;
	vm15 =	vlt.s32 v3, $0x1FFF;
	vm1 =	vlt.s32 v4, $0x1FFF;
	v1 =	vnsel vm14, $0x1FFF, v2  }
0x14: {  	s24 =	simm.s32 $0x7600;
	s25 =	simm.s32 $0x7200;
	s26 =	simm.s32 $0x1;
	v2 =	vnsel vm15, $0x1FFF, v3;
	v3 =	vnsel vm1, $0x1FFF, v4;
	v4 =	vimm.s32 $0x0  }
.LBB2_1:
0x15: {  	s0 =	simm.s32 $0x76C0  }
0x16: {  	[tilespmem:s0], [sflag:$0x1] =	stream.strided.gather [hbm4b:s4+s30], $0x6000, s15, s30, $0x38;
	[tilespmem:$0xD6C0] =	vst v63  }
0x17: {  	_ = 	snop  }
0x18: {  	[tilespmem:s3], [sflag:$0x1] =	stream.strided.gather [hbm4b:s5+s17], $0x300, s15, s17, $0x38;
	[tilespmem:$0xD6C0] =	vst v63  }
0x19: {  	s16 =	simm.s32 $0x400  }
0x1a: {  	[tilespmem:s16], [sflag:$0x1] =	stream.strided.gather [hbm4b:s12+s17], $0x300, s15, s17, $0x38;
	[tilespmem:$0xD6C0] =	vst v63  }
0x1b: {  	_ = 	snop  }
0x1c: {  	[tilespmem:s19], [sflag:$0x1] =	stream.strided.gather [hbm4b:s13+s17], $0x300, s15, s17, $0x38;
	[tilespmem:$0xD6C0] =	vst v63  }
0x1d: {  	s18 =	simm.s32 $0xC00  }
0x1e: {  	[tilespmem:s18], [sflag:$0x1] =	stream.strided.gather [hbm4b:s14+s17], $0x300, s15, s17, $0x38;
	[tilespmem:$0xD6C0] =	vst v63  }
0x1f: {  	s20 =	simm.s32 $0x1200  }
0x20: {  	[tilespmem:s20], [sflag:$0x1] =	stream.linear.gather [hbm4b:s6+s3], $0x1000, $0x38;
	[tilespmem:$0xD6C0] =	vst v63  }
0x21: {  	_ = 	snop  }
0x22: {  	[tilespmem:s22], [sflag:$0x2] =	stream.linear.gather [hbm4b:s7+s3], $0x2000, $0x38;
	[tilespmem:$0xD6C0] =	vst v63  }
0x23: {  	_ =	swait.ge [sflag:s23], $0x2000  }
0x24: {  	[sflag:s23] =	ssyncset.done $0x0  }
0x25: {  	[sflag:s23] =	ssyncadd.s32 $0xFFFFE000  }
0x26: {  	v5 =	vld.idx.msk [tilespmem:v0+s22+$0x0], $0xffff;
	_ =	sdelay $0x4  }
0x27: {  	[tilespmem:$0x7600] =	vst v5  }
0x28: {  	v5 =	vld.idx.msk [tilespmem:v1+s22+$0x0], $0xffff;
	_ =	sdelay $0x4  }
0x29: {  	[tilespmem:$0x7610] =	vst v5  }
0x2a: {  	v5 =	vld.idx.msk [tilespmem:v2+s22+$0x0], $0xffff;
	_ =	sdelay $0x4  }
0x2b: {  	[tilespmem:$0x7620] =	vst v5  }
0x2c: {  	v5 =	vld.idx.msk [tilespmem:v3+s22+$0x0], $0xffff;
	_ =	sdelay $0x4  }
0x2d: {  	[tilespmem:$0x7630] =	vst v5  }
0x2e: {  	[spmem:s8] =	stream.linear.scatter [tilespmem:s24], [sflag:$0x2], $0x40, $0x38;
	[tilespmem:$0xD6C0] =	vst v63  }
0x2f: {  	_ =	swait.ge [sflag:s23], $0x40  }
0x30: {  	[sflag:s23] =	ssyncset.done $0x0  }
0x31: {  	[sflag:s23] =	ssyncadd.s32 $0xFFFFFFC0  }
0x32: {  	[bflag:$0x0] =	sbarrier.arrive $0xFFFF  }
0x33: {  	s21 =	rddreg [dreg:$0x5]  }
0x34: {  	[tilespmem:s25], [sflag:$0x2] =	stream.linear.gather [spmem:s21], $0x400, $0x38;
	[tilespmem:$0xD6C0] =	vst v63  }
0x35: {  	_ =	swait.ge [sflag:s23], $0x400  }
0x36: {  	[sflag:s23] =	ssyncset.done $0x0  }
0x37: {  	[sflag:s23] =	ssyncadd.s32 $0xFFFFFC00  }
0x38: {  	_ =	swait.ge [sflag:s26], $0x6000  }
0x39: {  	[sflag:s26] =	ssyncset.done $0x0  }
0x3a: {  	[sflag:s26] =	ssyncadd.s32 $0xFFFFA000  }
0x3b: {  	_ =	swait.ge [sflag:s26], $0xC00  }
0x3c: {  	[sflag:s26] =	ssyncset.done $0x0  }
0x3d: {  	[sflag:s26] =	ssyncadd.s32 $0xFFFFF400  }
0x3e: {  	_ =	swait.ge [sflag:s26], $0x1000  }
0x3f: {  	s2 =	simm.s32 $0x0;
	[sflag:s26] =	ssyncset.done $0x0  }
0x40: {  	s1 =	simm.s32 $0x0;
	s0 =	simm.s32 $0x1000;
	[sflag:s26] =	ssyncadd.s32 $0xFFFFF000  }
.LBB2_2:
0x41: {  	s16 =	sshll.u32 s1, $0x7  }
0x42: {  	s21 =	sand.u32 $0x70, s2;
	s20 =	sand.u32 $0xFFFFFC00, s16  }
0x43: {  	s18 =	sor.u32 s21, s20  }
0x44: {  	v5 =	vld [tilespmem:s18+$0x76C0];
	_ =	sdelay $0x5  }
0x45: {  	v9 =	vld [tilespmem:s18+$0x1200];
	_ =	sdelay $0x1  }
0x46: {  	v6 =	vld.idx.msk [tilespmem:v5+s25+$0x0], $0xffff;
	_ =	sdelay $0x2  }
0x47: {  	s16 =	sshll.u32 s1, $0x6;
	v5 =	vand.u32 $0x1, v9  }
0x48: {  	s16 =	sand.u32 $0x3FFFFE00, s16;
	vm0 =	veq.s32 v5, $0x0  }
0x49: {  	s16 =	sor.u32 s21, s16;
	v6 =	vsel vm0, $0xBF800000, v6  }
0x4a: {  	v5 =	vld [tilespmem:s18+$0x0];
	[tilespmem:s16+$0x2200] =	vst v6  }
0x4b: {  	v7 =	vld [tilespmem:s18+$0x77C0];
	_ =	sdelay $0x7  }
0x4c: {  	v7 =	vld.idx.msk [tilespmem:v7+s25+$0x0], $0xffff;
	_ =	sdelay $0x2  }
0x4d: {  	v8 =	vand.u32 $0x100, v9  }
0x4e: {  	vm6 =	veq.s32 v8, $0x0  }
0x4f: {  	v7 =	vsel vm6, $0xBF800000, v7  }
0x50: {  	[tilespmem:s16+$0x2280] =	vst v7  }
0x51: {  	v37 =	vld [tilespmem:s18+$0x78C0];
	_ =	sdelay $0x7  }
0x52: {  	v8 =	vld.idx.msk [tilespmem:v37+s25+$0x0], $0xffff;
	_ =	sdelay $0x2  }
0x53: {  	v10 =	vand.u32 $0x10000, v9  }
0x54: {  	vm7 =	veq.s32 v10, $0x0  }
0x55: {  	v8 =	vsel vm7, $0xBF800000, v8  }
0x56: {  	[tilespmem:s16+$0x2300] =	vst v8  }
0x57: {  	v38 =	vld [tilespmem:s18+$0x79C0];
	_ =	sdelay $0x7  }
0x58: {  	v10 =	vld.idx.msk [tilespmem:v38+s25+$0x0], $0xffff;
	_ =	sdelay $0x2  }
0x59: {  	v9 =	vand.u32 $0x1000000, v9  }
0x5a: {  	vm8 =	veq.s32 v9, $0x0  }
0x5b: {  	v9 =	vsel vm8, $0xBF800000, v10  }
0x5c: {  	[tilespmem:s16+$0x2380] =	vst v9  }
0x5d: {  	v39 =	vld [tilespmem:s18+$0x86C0];
	_ =	sdelay $0x5  }
0x5e: {  	v11 =	vld [tilespmem:s18+$0x1280];
	_ =	sdelay $0x1  }
0x5f: {  	v10 =	vld.idx.msk [tilespmem:v39+s25+$0x0], $0xffff;
	_ =	sdelay $0x2  }
0x60: {  	v12 =	vand.u32 $0x1, v11  }
0x61: {  	vm9 =	veq.s32 v12, $0x0  }
0x62: {  	v10 =	vsel vm9, $0xBF800000, v10  }
0x63: {  	v40 =	vld [tilespmem:s18+$0x80];
	[tilespmem:s16+$0x2A00] =	vst v10  }
0x64: {  	v13 =	vld [tilespmem:s18+$0x87C0];
	_ =	sdelay $0x7  }
0x65: {  	v13 =	vld.idx.msk [tilespmem:v13+s25+$0x0], $0xffff;
	_ =	sdelay $0x2  }
0x66: {  	v14 =	vand.u32 $0x100, v11  }
0x67: {  	vm10 =	veq.s32 v14, $0x0  }
0x68: {  	v13 =	vsel vm10, $0xBF800000, v13  }
0x69: {  	[tilespmem:s16+$0x2A80] =	vst v13  }
0x6a: {  	v41 =	vld [tilespmem:s18+$0x88C0];
	_ =	sdelay $0x7  }
0x6b: {  	v14 =	vld.idx.msk [tilespmem:v41+s25+$0x0], $0xffff;
	_ =	sdelay $0x2  }
0x6c: {  	v15 =	vand.u32 $0x10000, v11  }
0x6d: {  	vm11 =	veq.s32 v15, $0x0  }
0x6e: {  	v14 =	vsel vm11, $0xBF800000, v14  }
0x6f: {  	[tilespmem:s16+$0x2B00] =	vst v14  }
0x70: {  	v42 =	vld [tilespmem:s18+$0x89C0];
	_ =	sdelay $0x7  }
0x71: {  	v15 =	vld.idx.msk [tilespmem:v42+s25+$0x0], $0xffff;
	_ =	sdelay $0x2  }
0x72: {  	v11 =	vand.u32 $0x1000000, v11  }
0x73: {  	vm12 =	veq.s32 v11, $0x0  }
0x74: {  	v11 =	vsel vm12, $0xBF800000, v15  }
0x75: {  	[tilespmem:s16+$0x2B80] =	vst v11  }
0x76: {  	v43 =	vld [tilespmem:s18+$0x96C0];
	_ =	sdelay $0x5  }
0x77: {  	v16 =	vld [tilespmem:s18+$0x1300];
	_ =	sdelay $0x1  }
0x78: {  	v15 =	vld.idx.msk [tilespmem:v43+s25+$0x0], $0xffff;
	_ =	sdelay $0x2  }
0x79: {  	v17 =	vand.u32 $0x1, v16  }
0x7a: {  	vm13 =	veq.s32 v17, $0x0  }
0x7b: {  	v15 =	vsel vm13, $0xBF800000, v15  }
0x7c: {  	v44 =	vld [tilespmem:s18+$0x100];
	[tilespmem:s16+$0x3200] =	vst v15  }
0x7d: {  	v18 =	vld [tilespmem:s18+$0x97C0];
	_ =	sdelay $0x7  }
0x7e: {  	v18 =	vld.idx.msk [tilespmem:v18+s25+$0x0], $0xffff;
	_ =	sdelay $0x2  }
0x7f: {  	v19 =	vand.u32 $0x100, v16  }
0x80: {  	vm14 =	veq.s32 v19, $0x0  }
0x81: {  	v18 =	vsel vm14, $0xBF800000, v18  }
0x82: {  	[tilespmem:s16+$0x3280] =	vst v18  }
0x83: {  	v45 =	vld [tilespmem:s18+$0x98C0];
	_ =	sdelay $0x7  }
0x84: {  	v19 =	vld.idx.msk [tilespmem:v45+s25+$0x0], $0xffff;
	_ =	sdelay $0x2  }
0x85: {  	v20 =	vand.u32 $0x10000, v16  }
0x86: {  	vm15 =	veq.s32 v20, $0x0  }
0x87: {  	v19 =	vsel vm15, $0xBF800000, v19  }
0x88: {  	[tilespmem:s16+$0x3300] =	vst v19  }
0x89: {  	v46 =	vld [tilespmem:s18+$0x99C0];
	_ =	sdelay $0x7  }
0x8a: {  	v20 =	vld.idx.msk [tilespmem:v46+s25+$0x0], $0xffff;
	_ =	sdelay $0x2  }
0x8b: {  	v16 =	vand.u32 $0x1000000, v16  }
0x8c: {  	vm4 =	veq.s32 v16, $0x0  }
0x8d: {  	v16 =	vsel vm4, $0xBF800000, v20  }
0x8e: {  	[tilespmem:s16+$0x3380] =	vst v16  }
0x8f: {  	v47 =	vld [tilespmem:s18+$0xA6C0];
	_ =	sdelay $0x3  }
0x90: {  	s20 =	sor.u32 s20, s2  }
0x91: {  	s20 =	sor.u32 $0x180, s20  }
0x92: {  	v21 =	vld [tilespmem:s20+$0x1200];
	_ =	sdelay $0x1  }
0x93: {  	v20 =	vld.idx.msk [tilespmem:v47+s25+$0x0], $0xffff;
	_ =	sdelay $0x2  }
0x94: {  	v22 =	vand.u32 $0x1, v21  }
0x95: {  	vm5 =	veq.s32 v22, $0x0  }
0x96: {  	v20 =	vsel vm5, $0xBF800000, v20  }
0x97: {  	v48 =	vld [tilespmem:s20+$0x0];
	[tilespmem:s16+$0x3A00] =	vst v20  }
0x98: {  	v23 =	vld [tilespmem:s18+$0xA7C0];
	_ =	sdelay $0x7  }
0x99: {  	v23 =	vld.idx.msk [tilespmem:v23+s25+$0x0], $0xffff;
	_ =	sdelay $0x2  }
0x9a: {  	v24 =	vand.u32 $0x100, v21  }
0x9b: {  	vm6 =	veq.s32 v24, $0x0  }
0x9c: {  	v23 =	vsel vm6, $0xBF800000, v23  }
0x9d: {  	[tilespmem:s16+$0x3A80] =	vst v23  }
0x9e: {  	v49 =	vld [tilespmem:s18+$0xA8C0];
	_ =	sdelay $0x7  }
0x9f: {  	v24 =	vld.idx.msk [tilespmem:v49+s25+$0x0], $0xffff;
	_ =	sdelay $0x2  }
0xa0: {  	v25 =	vand.u32 $0x10000, v21  }
0xa1: {  	vm7 =	veq.s32 v25, $0x0  }
0xa2: {  	v24 =	vsel vm7, $0xBF800000, v24  }
0xa3: {  	[tilespmem:s16+$0x3B00] =	vst v24  }
0xa4: {  	v50 =	vld [tilespmem:s18+$0xA9C0];
	_ =	sdelay $0x7  }
0xa5: {  	v25 =	vld.idx.msk [tilespmem:v50+s25+$0x0], $0xffff;
	_ =	sdelay $0x2  }
0xa6: {  	v21 =	vand.u32 $0x1000000, v21  }
0xa7: {  	vm8 =	veq.s32 v21, $0x0  }
0xa8: {  	v21 =	vsel vm8, $0xBF800000, v25  }
0xa9: {  	[tilespmem:s16+$0x3B80] =	vst v21  }
0xaa: {  	v51 =	vld [tilespmem:s18+$0xB6C0];
	_ =	sdelay $0x5  }
0xab: {  	v26 =	vld [tilespmem:s18+$0x1400];
	_ =	sdelay $0x1  }
0xac: {  	v25 =	vld.idx.msk [tilespmem:v51+s25+$0x0], $0xffff;
	_ =	sdelay $0x2  }
0xad: {  	v27 =	vand.u32 $0x1, v26  }
0xae: {  	vm9 =	veq.s32 v27, $0x0  }
0xaf: {  	v25 =	vsel vm9, $0xBF800000, v25  }
0xb0: {  	v52 =	vld [tilespmem:s18+$0x200];
	[tilespmem:s16+$0x4200] =	vst v25  }
0xb1: {  	v28 =	vld [tilespmem:s18+$0xB7C0];
	_ =	sdelay $0x7  }
0xb2: {  	v28 =	vld.idx.msk [tilespmem:v28+s25+$0x0], $0xffff;
	_ =	sdelay $0x2  }
0xb3: {  	v29 =	vand.u32 $0x100, v26  }
0xb4: {  	vm10 =	veq.s32 v29, $0x0  }
0xb5: {  	v28 =	vsel vm10, $0xBF800000, v28  }
0xb6: {  	[tilespmem:s16+$0x4280] =	vst v28  }
0xb7: {  	v53 =	vld [tilespmem:s18+$0xB8C0];
	_ =	sdelay $0x7  }
0xb8: {  	v29 =	vld.idx.msk [tilespmem:v53+s25+$0x0], $0xffff;
	_ =	sdelay $0x2  }
0xb9: {  	v30 =	vand.u32 $0x10000, v26  }
0xba: {  	vm11 =	veq.s32 v30, $0x0  }
0xbb: {  	v29 =	vsel vm11, $0xBF800000, v29  }
0xbc: {  	[tilespmem:s16+$0x4300] =	vst v29  }
0xbd: {  	v54 =	vld [tilespmem:s18+$0xB9C0];
	_ =	sdelay $0x7  }
0xbe: {  	v30 =	vld.idx.msk [tilespmem:v54+s25+$0x0], $0xffff;
	_ =	sdelay $0x2  }
0xbf: {  	v26 =	vand.u32 $0x1000000, v26  }
0xc0: {  	vm12 =	veq.s32 v26, $0x0  }
0xc1: {  	v26 =	vsel vm12, $0xBF800000, v30  }
0xc2: {  	[tilespmem:s16+$0x4380] =	vst v26  }
0xc3: {  	v55 =	vld [tilespmem:s18+$0xC6C0];
	_ =	sdelay $0x5  }
0xc4: {  	v31 =	vld [tilespmem:s18+$0x1480];
	_ =	sdelay $0x1  }
0xc5: {  	v30 =	vld.idx.msk [tilespmem:v55+s25+$0x0], $0xffff;
	_ =	sdelay $0x1  }
0xc6: {  	vm1 =	veq.s32 v5, $0x1  }
0xc7: {  	v5 =	vnsel vm1, $0xFF800000, v6;
	v6 =	vand.u32 $0x1, v31  }
0xc8: {  	vm13 =	vgt.f32 v5, $-Inf;
	vm2 =	veq.s32 v6, $0x0  }
0xc9: {  	v5 =	vnsel vm13, $0xFF800000, v5;
	v6 =	vnsel vm1, $0xFF800000, v7;
	v30 =	vsel vm2, $0xBF800000, v30  }
0xca: {  	v7 =	vld [tilespmem:s18+$0x280];
	vm0 =	vgt.f32 v6, v5;
	[tilespmem:s16+$0x4A00] =	vst v30  }
0xcb: {  	v5 =	vsel vm0, v6, v5;
	v6 =	vnsel vm1, $0xFF800000, v8;
	v56 =	vld [tilespmem:s18+$0xC7C0]  }
0xcc: {  	vm2 =	vgt.f32 v6, v5  }
0xcd: {  	v5 =	vsel vm2, v6, v5;
	v6 =	vnsel vm1, $0xFF800000, v9  }
0xce: {  	vm14 =	veq.s32 v40, $0x1;
	vm4 =	vgt.f32 v6, v5  }
0xcf: {  	v5 =	vsel vm4, v6, v5;
	v6 =	vnsel vm14, $0xFF800000, v10  }
0xd0: {  	vm5 =	vgt.f32 v6, v5  }
0xd1: {  	v5 =	vsel vm5, v6, v5;
	v6 =	vnsel vm14, $0xFF800000, v13  }
0xd2: {  	vm6 =	vgt.f32 v6, v5  }
0xd3: {  	v5 =	vsel vm6, v6, v5;
	v6 =	vnsel vm14, $0xFF800000, v14;
	v8 =	vld.idx.msk [tilespmem:v56+s25+$0x0], $0xffff  }
0xd4: {  	vm3 =	vgt.f32 v6, v5  }
0xd5: {  	v5 =	vsel vm3, v6, v5;
	v6 =	vnsel vm14, $0xFF800000, v11  }
0xd6: {  	vm10 =	veq.s32 v44, $0x1;
	v57 =	vand.u32 $0x100, v31;
	vm1 =	vgt.f32 v6, v5  }
0xd7: {  	vm8 =	veq.s32 v57, $0x0;
	v5 =	vsel vm1, v6, v5;
	v6 =	vnsel vm10, $0xFF800000, v15  }
0xd8: {  	vm7 =	vgt.f32 v6, v5;
	v8 =	vsel vm8, $0xBF800000, v8  }
0xd9: {  	v5 =	vsel vm7, v6, v5;
	v6 =	vnsel vm10, $0xFF800000, v18;
	[tilespmem:s16+$0x4A80] =	vst v8  }
0xda: {  	vm8 =	vgt.f32 v6, v5;
	v58 =	vld [tilespmem:s18+$0xC8C0]  }
0xdb: {  	v5 =	vsel vm8, v6, v5;
	v6 =	vnsel vm10, $0xFF800000, v19  }
0xdc: {  	vm9 =	vgt.f32 v6, v5  }
0xdd: {  	v5 =	vsel vm9, v6, v5;
	v6 =	vnsel vm10, $0xFF800000, v16  }
0xde: {  	vm12 =	veq.s32 v48, $0x1;
	vm10 =	vgt.f32 v6, v5  }
0xdf: {  	v5 =	vsel vm10, v6, v5;
	v6 =	vnsel vm12, $0xFF800000, v20  }
0xe0: {  	vm11 =	vgt.f32 v6, v5  }
0xe1: {  	v5 =	vsel vm11, v6, v5;
	v6 =	vnsel vm12, $0xFF800000, v23  }
0xe2: {  	v59 =	vsel vm0, $0x1, v4;
	vm0 =	vgt.f32 v6, v5;
	v9 =	vld.idx.msk [tilespmem:v58+s25+$0x0], $0xffff  }
0xe3: {  	v10 =	vsel vm2, $0x2, v59;
	v5 =	vsel vm0, v6, v5;
	v6 =	vnsel vm12, $0xFF800000, v24  }
0xe4: {  	v10 =	vsel vm4, $0x3, v10;
	vm2 =	vgt.f32 v6, v5  }
0xe5: {  	v10 =	vsel vm5, $0x4, v10;
	v5 =	vsel vm2, v6, v5;
	v6 =	vand.u32 $0x10000, v31  }
0xe6: {  	vm5 =	veq.s32 v52, $0x1;
	vm15 =	veq.s32 v6, $0x0;
	v6 =	vnsel vm12, $0xFF800000, v21  }
0xe7: {  	v10 =	vsel vm6, $0x5, v10;
	vm12 =	vgt.f32 v6, v5;
	v9 =	vsel vm15, $0xBF800000, v9  }
0xe8: {  	v10 =	vsel vm3, $0x6, v10;
	v5 =	vsel vm12, v6, v5;
	v6 =	vnsel vm5, $0xFF800000, v25;
	[tilespmem:s16+$0x4B00] =	vst v9  }
0xe9: {  	v10 =	vsel vm1, $0x7, v10;
	vm13 =	vgt.f32 v6, v5;
	v60 =	vld [tilespmem:s18+$0xC9C0]  }
0xea: {  	v10 =	vsel vm7, $0x8, v10;
	v5 =	vsel vm13, v6, v5;
	v6 =	vnsel vm5, $0xFF800000, v28  }
0xeb: {  	v10 =	vsel vm8, $0x9, v10;
	vm14 =	vgt.f32 v6, v5  }
0xec: {  	v10 =	vsel vm9, $0xA, v10;
	v5 =	vsel vm14, v6, v5;
	v6 =	vnsel vm5, $0xFF800000, v29  }
0xed: {  	v10 =	vsel vm10, $0xB, v10;
	vm15 =	vgt.f32 v6, v5  }
0xee: {  	v10 =	vsel vm11, $0xC, v10;
	v5 =	vsel vm15, v6, v5;
	v6 =	vnsel vm5, $0xFF800000, v26  }
0xef: {  	vm9 =	veq.s32 v7, $0x1;
	v7 =	vsel vm0, $0xD, v10;
	vm10 =	vgt.f32 v6, v5  }
0xf0: {  	v7 =	vsel vm2, $0xE, v7;
	v5 =	vsel vm10, v6, v5;
	v6 =	vnsel vm9, $0xFF800000, v30  }
0xf1: {  	v7 =	vsel vm12, $0xF, v7;
	vm11 =	vgt.f32 v6, v5;
	v61 =	vld.idx.msk [tilespmem:v60+s25+$0x0], $0xffff  }
0xf2: {  	v7 =	vsel vm13, $0x10, v7;
	v5 =	vsel vm11, v6, v5;
	v6 =	vnsel vm9, $0xFF800000, v8  }
0xf3: {  	v7 =	vsel vm14, $0x11, v7;
	vm12 =	vgt.f32 v6, v5  }
0xf4: {  	v7 =	vsel vm15, $0x12, v7;
	v5 =	vsel vm12, v6, v5;
	v6 =	vand.u32 $0x1000000, v31  }
0xf5: {  	p0 =	sne.s32 s1, $0x1F;
	v62 =	vnsel vm9, $0xFF800000, v9;
	v7 =	vsel vm10, $0x13, v7;
	vm13 =	veq.s32 v6, $0x0  }
.Ltmp0:
0xf6: {  	v6 =	vsel vm11, $0x14, v7;
	vm14 =	vgt.f32 v62, v5;
	v7 =	vsel vm13, $0xBF800000, v61;
	(pc) =	sbr.rel @p0 .LBB2_2-.Ltmp0, $4  }
0xf7: {  	v6 =	vsel vm12, $0x15, v6;
	v5 =	vsel vm14, v62, v5;
	v63 =	vnsel vm9, $0xFF800000, v7  }
0xf8: {  	v6 =	vsel vm14, $0x16, v6;
	vm15 =	vgt.f32 v63, v5  }
0xf9: {  	[tilespmem:s16+$0x4B80] =	vst v7;
	v5 =	vsel vm15, $0x17, v6  }
0xfa: {  	s1 =	sadd.s32 $0x1, s1;
	s2 =	sadd.s32 $0x10, s2;
	[tilespmem:s0+$0x0] =	vst v5;
	s0 =	sadd.s32 $0x10, s0  }
0xfb: {  	[hbm4b:s9+s19] =	stream.strided.scatter [tilespmem:s29], [sflag:$0x2], $0x3000, s28, s19, $0x38;
	[tilespmem:$0xD6C0] =	vst v63  }
0xfc: {  	s31 =	sadd.s32 $0x1, s31;
	_ =	swait.ge [sflag:s23], $0x3000  }
0xfd: {  	p0 =	sne.s32 s31, s11;
	[sflag:s23] =	ssyncset.done $0x0  }
.Ltmp1:
0xfe: {  	[sflag:s23] =	ssyncadd.s32 $0xFFFFD000;
	(pc) =	sbr.rel @p0 .LBB2_1-.Ltmp1, $4  }
0xff: {  	[hbm4b:s10+s3] =	stream.linear.scatter [tilespmem:s30], [sflag:$0x2], $0x200, $0x38;
	[tilespmem:$0xD6C0] =	vst v63  }
0x100: {  	_ =	swait.ge [sflag:s23], $0x200  }
0x101: {  	[sflag:s23] =	ssyncset.done $0x0  }
0x102: {  	[sflag:s23] =	ssyncadd.s32 $0xFFFFFE00  }
0x103: {  	_ =	sfence.sel $0x180000  }
0x104: {  	[bflag:$0x0] =	sbarrier.arrive $0xFFFF  }
0x105: {  	_ =	strace $0x90000047  }
0x106: {  	s0 =	stileid.u32;
	[bflag:$0x2] =	sbarrier.arrive $0xFFFF  }
0x107: {  	p0 =	sne.s32 s0, $0x0;
	s0 =	rddreg [dreg:$0x6]  }
0x108: {  	s0 =	sadd.s32 @!p0 $0x100000, s0  }
0x109: {  	[sflag:s0] =	ssyncadd.tile.s32 @!p0 $0x1;
	_ =	shalt  }
.Lfunc_end2:
_tile_overlayer_lowered:
.L_overlay_start_2:
0x10a: {  	(tag) =	ssettag $0x2  }
0x10b: {  	s0 =	rddreg [dreg:$0x0];
	s2 =	stileid.u32  }
0x10c: {  	s1 =	rddreg [dreg:$0x1];
	p0 =	sne.s32 s2, $0x0  }
0x10d: {  	s3 =	rddreg [dreg:$0x2];
	[bflag:$0x3] =	sbarrier.arrive $0xFFFF;
	s2 =	simm.s32 @!p0 $0x1C02  }
0x10e: {  	[timem:s3], [sflag:s2] =	dma.local @!p0 [hbm:s0], s1  }
0x10f: {  	s0 =	simm.s32 @!p0 $0x2  }
0x110: {  	_ =	swait.ge @!p0 [sflag:s0], s1  }
0x111: {  	s1 =	ssub.s32 @!p0 $0x0, s1;
	[sflag:s0] =	ssyncset.done @!p0 $0x0  }
0x112: {  	[sflag:s0] =	ssyncadd.s32 @!p0 s1  }
0x113: {  	[bflag:$0x3] =	sbarrier.arrive $0xFFFF  }
0x114: {  	_ =	shalt  }

</sc_bundles>
